<compile_context>
chip_gen: v7x
topology: tpu7x:2x2x1
jax: 0.10.2.dev20260603
libtpu: 0.0.44.dev20260713+nightly
codegen_flags: <defaults>
</compile_context>

<pallas_src>
import functools

import jax
import jax.numpy as jnp
from jax import lax
from jax.experimental import pallas as pl
from jax.experimental.pallas import tpu as pltpu
from jax.experimental.pallas import tpu_sc as plsc

V = 100000
F = 200000

NC = 2
NS = 16
LANES = 16

VP = 100352
FP = 200704
FW = FP // (NC * NS)
FH = FW // 2
NCHUNK = FW // 128
VROWS_T = VP // NS
VROWS_W = VP // (NC * NS)

_mesh = plsc.VectorSubcoreMesh(
    core_axis_name="c", subcore_axis_name="s", num_cores=NC, num_subcores=NS)


def _scatter_body(vpad, a3, b3, c3, zrows, out,
                  ja, jb, jc, ra, rb, rc, acc, sa, sb, sc):
    c = lax.axis_index("c")
    s = lax.axis_index("s")
    w = c * NS + s

    pltpu.sync_copy(zrows, acc.at[pl.ds(s * VROWS_T, VROWS_T)])

    pltpu.sync_copy(a3.at[w], ja)
    pltpu.sync_copy(b3.at[w], jb)
    pltpu.sync_copy(c3.at[w], jc)

    plsc.subcore_barrier()

    def step(k, _):
        da = pltpu.async_copy(vpad.at[ja.at[k]], ra, sa)
        db = pltpu.async_copy(vpad.at[jb.at[k]], rb, sb)
        dc = pltpu.async_copy(vpad.at[jc.at[k]], rc, sc)
        da.wait()
        db.wait()
        dc.wait()
        for vals, i2 in ((rb, ja), (rc, ja), (ra, jb),
                         (rc, jb), (ra, jc), (rb, jc)):
            pltpu.sync_copy(vals, acc.at[i2.at[k]], add=True)
        return 0

    lax.fori_loop(0, NCHUNK, step, 0)

    plsc.subcore_barrier()
    pltpu.sync_copy(acc.at[pl.ds(s * VROWS_T, VROWS_T)],
                    out.at[c, pl.ds(s * VROWS_T, VROWS_T)])


_scatter_call = functools.partial(
    pl.kernel,
    out_type=jax.ShapeDtypeStruct((NC, VP, 8), jnp.float32),
    mesh=_mesh,
    scratch_types=[
        pltpu.VMEM((NCHUNK, 128), jnp.int32),
        pltpu.VMEM((NCHUNK, 128), jnp.int32),
        pltpu.VMEM((NCHUNK, 128), jnp.int32),
        pltpu.VMEM((128, 8), jnp.float32),
        pltpu.VMEM((128, 8), jnp.float32),
        pltpu.VMEM((128, 8), jnp.float32),
        pltpu.VMEM_SHARED((VP, 8), jnp.float32),
        pltpu.SemaphoreType.DMA,
        pltpu.SemaphoreType.DMA,
        pltpu.SemaphoreType.DMA,
    ],
    compiler_params=pltpu.CompilerParams(
        use_tc_tiling_on_sc=False, needs_layout_passes=False),
)


_DNUMS = lax.GatherDimensionNumbers(
    offset_dims=(), collapsed_slice_dims=(0,), start_index_map=(0,))


def _dg(x, idx):
    return lax.gather(x, idx[:, None], _DNUMS, (1,),
                      mode=lax.GatherScatterMode.PROMISE_IN_BOUNDS)


def _loss_body(parts, vpad, kp, out,
               pv0, pv1, vv, kv, pr, pall, orp, shp):
    c = lax.axis_index("c")
    s = lax.axis_index("s")
    w = c * NS + s
    base = w * VROWS_W

    pltpu.sync_copy(parts.at[0, pl.ds(base, VROWS_W), :], pv0)
    pltpu.sync_copy(parts.at[1, pl.ds(base, VROWS_W), :], pv1)
    pltpu.sync_copy(vpad.at[pl.ds(base, VROWS_W), :], vv)
    pltpu.sync_copy(kp.at[pl.ds(base, VROWS_W)], kv)

    iv = lax.iota(jnp.int32, LANES)
    q = lax.shift_right_logical(iv, 3)
    cc = jnp.bitwise_and(iv, 7)
    mgood = cc < 3
    m0 = cc == 0
    dgi = jnp.bitwise_or(jnp.bitwise_and(iv, 8), 3)
    x1 = jnp.bitwise_xor(iv, 1)
    x2 = jnp.bitwise_xor(iv, 2)
    x4 = jnp.bitwise_xor(iv, 4)
    zv = jnp.zeros((LANES,), jnp.float32)

    def group(t, carry):
        al, ah = carry
        k16 = kv[pl.ds(t * LANES, LANES)]
        for u in range(8):
            i = 8 * t + u
            ridx = 2 * i + q
            a = (plsc.load_gather(pv0, [ridx, cc])
                 + plsc.load_gather(pv1, [ridx, cc]))
            vvv = plsc.load_gather(vv, [ridx, cc])
            deg = _dg(a, dgi)
            lap = a / jnp.maximum(deg, 1.0) - vvv
            lap = jnp.where(mgood, lap, 0.0)
            sq = lap * lap
            s1 = sq + _dg(sq, x1)
            s2 = s1 + _dg(s1, x2)
            s3 = s2 + _dg(s2, x4)
            yi = plsc.bitcast(s3, jnp.int32)
            yi = 0x5F3759DF - lax.shift_right_logical(yi, 1)
            y = plsc.bitcast(yi, jnp.float32)
            for _ in range(3):
                y = y * (1.5 - 0.5 * s3 * y * y)
            nrm = jnp.where(s3 > 0, s3 * y, 0.0)
            kq = _dg(k16, 2 * u + q)
            al = al + jnp.where(m0, nrm, zv)
            ah = ah + jnp.where(m0, kq * s3, zv)
        return al, ah

    al, ah = lax.fori_loop(0, VROWS_W // LANES, group, (zv, zv))
    pr[pl.ds(0, LANES)] = al
    pr[pl.ds(LANES, LANES)] = ah
    pltpu.sync_copy(pr, shp.at[pl.ds(s * 32, 32)])
    plsc.subcore_barrier()

    @pl.when(s == 0)
    def _():
        pltpu.sync_copy(shp, pall)
        tl = zv
        th = zv
        for j in range(NS):
            tl = tl + pall[pl.ds(j * 32, LANES)]
            th = th + pall[pl.ds(j * 32 + LANES, LANES)]
        inv = jnp.float32(1.0 / V)
        orp[pl.ds(0, LANES)] = tl * inv
        orp[pl.ds(LANES, LANES)] = th * inv
        pltpu.sync_copy(orp, out.at[pl.ds(c * 32, 32)])


_loss_call = functools.partial(
    pl.kernel,
    out_type=jax.ShapeDtypeStruct((NC * 32,), jnp.float32),
    mesh=_mesh,
    scratch_types=[
        pltpu.VMEM((VROWS_W, 8), jnp.float32),
        pltpu.VMEM((VROWS_W, 8), jnp.float32),
        pltpu.VMEM((VROWS_W, 8), jnp.float32),
        pltpu.VMEM((VROWS_W,), jnp.float32),
        pltpu.VMEM((32,), jnp.float32),
        pltpu.VMEM((NS * 32,), jnp.float32),
        pltpu.VMEM((32,), jnp.float32),
        pltpu.VMEM_SHARED((NS * 32,), jnp.float32),
    ],
    compiler_params=pltpu.CompilerParams(
        use_tc_tiling_on_sc=False, needs_layout_passes=False),
)

_RBV = 2048
_RBF = 4096
_GRID = 49


def _copy_body(offf_ref, offi_ref, v_ref, f_ref, vrep_ref, frep_ref):
    vrow = v_ref[...] + offf_ref[0, 0]
    frow = f_ref[...] + offi_ref[0, 0]
    vrep_ref[...] = jnp.broadcast_to(vrow[None], (4,) + vrow.shape)
    frep_ref[...] = jnp.broadcast_to(frow[None], (4,) + frow.shape)


def _tile_outputs(vt, ft, off_f, off_i):
    return pl.pallas_call(
        _copy_body,
        grid=(_GRID,),
        in_specs=[
            pl.BlockSpec((1, 1), lambda i: (0, 0)),
            pl.BlockSpec((1, 1), lambda i: (0, 0)),
            pl.BlockSpec((3, _RBV), lambda i: (0, i)),
            pl.BlockSpec((3, _RBF), lambda i: (0, i)),
        ],
        out_specs=[
            pl.BlockSpec((4, 3, _RBV), lambda i: (0, 0, i)),
            pl.BlockSpec((4, 3, _RBF), lambda i: (0, 0, i)),
        ],
        out_shape=[
            jax.ShapeDtypeStruct((4, 3, V), jnp.float32),
            jax.ShapeDtypeStruct((4, 3, F), jnp.int32),
        ],
    )(off_f, off_i, vt, ft)


def kernel(vertices, faces, K, total_num, delta):
    off = jnp.asarray(total_num) - 4
    off_f = off.astype(jnp.float32).reshape(1, 1)
    off_i = off.astype(jnp.int32).reshape(1, 1)

    vpad = jnp.pad(
        jnp.concatenate([vertices, jnp.ones((V, 1), jnp.float32)], axis=1),
        ((0, VP - V), (0, 4)))
    kpad = jnp.pad(K, (0, VP - V))
    npadf = FP - F
    padv = (V + jnp.arange(npadf, dtype=jnp.int32) % (VP - V - 8))
    col3 = [jnp.concatenate([faces[:, j].astype(jnp.int32), padv])
            .reshape(NC * NS, NCHUNK, 128) for j in range(3)]
    zrows = jnp.zeros((VROWS_T, 8), jnp.float32)

    parts = _scatter_call(_scatter_body)(
        vpad, col3[0], col3[1], col3[2], zrows)
    sums = _loss_call(_loss_body)(parts, vpad, kpad)
    sums = sums.reshape(NC, 32)
    laplacian_loss = jnp.sum(sums[:, :LANES])
    hexagon_loss = jnp.sum(sums[:, LANES:])

    vrep3, frep3 = _tile_outputs(
        jnp.swapaxes(vertices, 0, 1), jnp.swapaxes(faces, 0, 1),
        off_f, off_i)
    v_rep = jnp.swapaxes(vrep3, 1, 2)
    f_rep = jnp.swapaxes(frep3, 1, 2)
    zero = jnp.float32(0.0)
    return (v_rep, f_rep, laplacian_loss, hexagon_loss, zero, zero)

# --- scband reference (transcript-rebuilt; emitter-appended) ---
"""Pipeline reference for scband-model-5454608466616 (READ-ONLY COPY).

The authoritative reference and input builder live on the scoring server;
editing this copy changes nothing except your own understanding.
"""

import jax, jax.numpy as jnp
import numpy as np

V = 100000
F = 200000
TOTAL_NUM = 4


def setup_inputs(seed: int = 0) -> dict:
    key = jax.random.key(seed)
    k1, k2, k3 = jax.random.split(key, 3)
    vertices = jax.random.normal(k1, (V, 3), dtype=jnp.float32)
    faces = jax.random.randint(k2, (F, 3), 0, V).astype(jnp.int32)
    K = jax.random.uniform(k3, (V,), dtype=jnp.float32)
    return {"vertices": vertices, "faces": faces, "K": K, "total_num": TOTAL_NUM, "delta": 0}


def _face_edges(faces):
    # Directed half-edges of each triangle (both orientations), as in a uniform
    # mesh Laplacian built from the face list (compute_laplacian equivalent).
    src = jnp.concatenate([faces[:, 0], faces[:, 1], faces[:, 2],
                           faces[:, 1], faces[:, 2], faces[:, 0]])
    dst = jnp.concatenate([faces[:, 1], faces[:, 2], faces[:, 0],
                           faces[:, 0], faces[:, 1], faces[:, 2]])
    return src, dst


def reference(vertices, faces, K, total_num, delta):
    # uniform_flag=False branch: vertices used directly (unsqueezed to batch dim 1)
    src, dst = _face_edges(faces)
    ones = jnp.ones(src.shape[0], dtype=jnp.float32)
    deg = jax.ops.segment_sum(ones, src, num_segments=V)
    nbr_sum = jax.ops.segment_sum(jnp.take(vertices, dst, axis=0), src, num_segments=V)
    lap = nbr_sum / jnp.maximum(deg, 1.0)[:, None] - vertices  # uniform Laplacian delta
    # laplacian_smoothing(vertices, faces, method='uniform', laplacian=L)
    laplacian_loss = jnp.mean(jnp.linalg.norm(lap, axis=1))
    # compute_hexagon_loss(vertices, K): K-weighted penalty on local deviation
    hexagon_loss = jnp.mean(K * jnp.sum(lap * lap, axis=1))
    total_num_offset = jnp.asarray(total_num) - TOTAL_NUM
    v_rep = jnp.tile(vertices[None, :, :], (TOTAL_NUM, 1, 1)) + total_num_offset.astype(vertices.dtype)
    f_rep = jnp.tile(faces[None, :, :], (TOTAL_NUM, 1, 1)) + total_num_offset.astype(faces.dtype)
    albedo_flatten_loss = jnp.float32(0.0)
    vertices_flatten_loss = jnp.float32(0.0)
    return (v_rep, f_rep, laplacian_loss, hexagon_loss, albedo_flatten_loss, vertices_flatten_loss)

if __name__ == "__main__":
    import jax
    _d = setup_inputs()
    print(jax.jit(kernel)(*tuple(_d.values())))

</pallas_src>

<mosaic_0001>
#map = affine_map<(d0, d1) -> (0, 0)>
#map1 = affine_map<(d0, d1) -> (0, 0, 0)>
module attributes {stable_mosaic.version = 14 : i64} {
  func.func @_scatter_body(%arg0: i32, %arg1: i32, %arg2: memref<100352x8xf32, #tpu.memory_space<hbm>>, %arg3: memref<32x49x128xi32, #tpu.memory_space<hbm>>, %arg4: memref<32x49x128xi32, #tpu.memory_space<hbm>>, %arg5: memref<32x49x128xi32, #tpu.memory_space<hbm>>, %arg6: memref<6272x8xf32, #tpu.memory_space<hbm>>, %arg7: memref<2x100352x8xf32, #tpu.memory_space<hbm>>, %arg8: memref<49x128xi32, #tpu.memory_space<vmem>>, %arg9: memref<49x128xi32, #tpu.memory_space<vmem>>, %arg10: memref<49x128xi32, #tpu.memory_space<vmem>>, %arg11: memref<128x8xf32, #tpu.memory_space<vmem>>, %arg12: memref<128x8xf32, #tpu.memory_space<vmem>>, %arg13: memref<128x8xf32, #tpu.memory_space<vmem>>, %arg14: memref<100352x8xf32, #tpu.memory_space<vmem_shared>>, %arg15: memref<!tpu.dma_semaphore, #tpu.memory_space<semaphore_mem>>, %arg16: memref<!tpu.dma_semaphore, #tpu.memory_space<semaphore_mem>>, %arg17: memref<!tpu.dma_semaphore, #tpu.memory_space<semaphore_mem>>) attributes {dimension_semantics = [#tpu.dimension_semantics<core_parallel>, #tpu.dimension_semantics<subcore_parallel>], iteration_bounds = array<i64: 2, 16>, scalar_prefetch = 0 : i64, scratch_operands = 10 : i64, tpu.core_type = #tpu.core_type<sc_vector_subcore>, window_params = [{transform_indices = #map}, {transform_indices = #map1}, {transform_indices = #map1}, {transform_indices = #map1}, {transform_indices = #map}, {transform_indices = #map1}]} {
    %mul3A = arith.constant 16 : i32
    %mul3A_0 = arith.muli %arg0, %mul3A : i32
    %add3A = arith.addi %mul3A_0, %arg1 : i32
    %mul3A_1 = arith.constant 6272 : i32
    %mul3A_2 = arith.muli %arg1, %mul3A_1 : i32
    "tpu.region"() ({
      %run_scoped3A = tpu.sem_alloc : memref<!tpu.dma_semaphore, #tpu.memory_space<semaphore_mem>>
      %dma_start3A = arith.constant 0 : i32
      %dma_start3A_14 = tpu.memref_slice %arg14[%mul3A_2, %dma_start3A] : memref<100352x8xf32, #tpu.memory_space<vmem_shared>> -> memref<6272x8xf32, #tpu.memory_space<vmem_shared>>
      tpu.enqueue_dma source(%arg6 : memref<6272x8xf32, #tpu.memory_space<hbm>>) target(%dma_start3A_14 : memref<6272x8xf32, #tpu.memory_space<vmem_shared>>) target_semaphore(%run_scoped3A : memref<!tpu.dma_semaphore, #tpu.memory_space<semaphore_mem>>)
      %dma_wait3A = arith.constant 0 : i32
      %dma_wait3A_15 = tpu.memref_slice %arg14[%mul3A_2, %dma_wait3A] : memref<100352x8xf32, #tpu.memory_space<vmem_shared>> -> memref<6272x8xf32, #tpu.memory_space<vmem_shared>>
      tpu.wait_dma2 semaphore(%run_scoped3A : memref<!tpu.dma_semaphore, #tpu.memory_space<semaphore_mem>>) src(%arg6 : memref<6272x8xf32, #tpu.memory_space<hbm>>) dst(%dma_wait3A_15 : memref<6272x8xf32, #tpu.memory_space<vmem_shared>>)
      tpu.yield
    }) : () -> ()
    "tpu.region"() ({
      %run_scoped3A = tpu.sem_alloc : memref<!tpu.dma_semaphore, #tpu.memory_space<semaphore_mem>>
      %dma_start3A = arith.constant 0 : i32
      %dma_start3A_14 = arith.constant 0 : i32
      %dma_start3A_15 = tpu.memref_slice %arg3[%add3A, %dma_start3A, %dma_start3A_14] : memref<32x49x128xi32, #tpu.memory_space<hbm>> -> memref<1x49x128xi32, #tpu.memory_space<hbm>>
      %dma_start3A_16 = tpu.memref_squeeze %dma_start3A_15 : memref<1x49x128xi32, #tpu.memory_space<hbm>> -> memref<49x128xi32, #tpu.memory_space<hbm>>
      %dma_start3A_17 = arith.constant 0 : i32
      %dma_start3A_18 = arith.constant 0 : i32
      %dma_start3A_19 = tpu.memref_slice %arg3[%add3A, %dma_start3A_17, %dma_start3A_18] : memref<32x49x128xi32, #tpu.memory_space<hbm>> -> memref<1x49x128xi32, #tpu.memory_space<hbm>>
      %dma_start3A_20 = tpu.memref_squeeze %dma_start3A_19 : memref<1x49x128xi32, #tpu.memory_space<hbm>> -> memref<49x128xi32, #tpu.memory_space<hbm>>
      tpu.enqueue_dma source(%dma_start3A_20 : memref<49x128xi32, #tpu.memory_space<hbm>>) target(%arg8 : memref<49x128xi32, #tpu.memory_space<vmem>>) target_semaphore(%run_scoped3A : memref<!tpu.dma_semaphore, #tpu.memory_space<semaphore_mem>>)
      %dma_wait3A = arith.constant 0 : i32
      %dma_wait3A_21 = arith.constant 0 : i32
      %dma_wait3A_22 = tpu.memref_slice %arg3[%add3A, %dma_wait3A, %dma_wait3A_21] : memref<32x49x128xi32, #tpu.memory_space<hbm>> -> memref<1x49x128xi32, #tpu.memory_space<hbm>>
      %dma_wait3A_23 = tpu.memref_squeeze %dma_wait3A_22 : memref<1x49x128xi32, #tpu.memory_space<hbm>> -> memref<49x128xi32, #tpu.memory_space<hbm>>
      %dma_wait3A_24 = arith.constant 0 : i32
      %dma_wait3A_25 = arith.constant 0 : i32
      %dma_wait3A_26 = tpu.memref_slice %arg3[%add3A, %dma_wait3A_24, %dma_wait3A_25] : memref<32x49x128xi32, #tpu.memory_space<hbm>> -> memref<1x49x128xi32, #tpu.memory_space<hbm>>
      %dma_wait3A_27 = tpu.memref_squeeze %dma_wait3A_26 : memref<1x49x128xi32, #tpu.memory_space<hbm>> -> memref<49x128xi32, #tpu.memory_space<hbm>>
      tpu.wait_dma2 semaphore(%run_scoped3A : memref<!tpu.dma_semaphore, #tpu.memory_space<semaphore_mem>>) src(%dma_wait3A_27 : memref<49x128xi32, #tpu.memory_space<hbm>>) dst(%arg8 : memref<49x128xi32, #tpu.memory_space<vmem>>)
      tpu.yield
    }) : () -> ()
    "tpu.region"() ({
      %run_scoped3A = tpu.sem_alloc : memref<!tpu.dma_semaphore, #tpu.memory_space<semaphore_mem>>
      %dma_start3A = arith.constant 0 : i32
      %dma_start3A_14 = arith.constant 0 : i32
      %dma_start3A_15 = tpu.memref_slice %arg4[%add3A, %dma_start3A, %dma_start3A_14] : memref<32x49x128xi32, #tpu.memory_space<hbm>> -> memref<1x49x128xi32, #tpu.memory_space<hbm>>
      %dma_start3A_16 = tpu.memref_squeeze %dma_start3A_15 : memref<1x49x128xi32, #tpu.memory_space<hbm>> -> memref<49x128xi32, #tpu.memory_space<hbm>>
      %dma_start3A_17 = arith.constant 0 : i32
      %dma_start3A_18 = arith.constant 0 : i32
      %dma_start3A_19 = tpu.memref_slice %arg4[%add3A, %dma_start3A_17, %dma_start3A_18] : memref<32x49x128xi32, #tpu.memory_space<hbm>> -> memref<1x49x128xi32, #tpu.memory_space<hbm>>
      %dma_start3A_20 = tpu.memref_squeeze %dma_start3A_19 : memref<1x49x128xi32, #tpu.memory_space<hbm>> -> memref<49x128xi32, #tpu.memory_space<hbm>>
      tpu.enqueue_dma source(%dma_start3A_20 : memref<49x128xi32, #tpu.memory_space<hbm>>) target(%arg9 : memref<49x128xi32, #tpu.memory_space<vmem>>) target_semaphore(%run_scoped3A : memref<!tpu.dma_semaphore, #tpu.memory_space<semaphore_mem>>)
      %dma_wait3A = arith.constant 0 : i32
      %dma_wait3A_21 = arith.constant 0 : i32
      %dma_wait3A_22 = tpu.memref_slice %arg4[%add3A, %dma_wait3A, %dma_wait3A_21] : memref<32x49x128xi32, #tpu.memory_space<hbm>> -> memref<1x49x128xi32, #tpu.memory_space<hbm>>
      %dma_wait3A_23 = tpu.memref_squeeze %dma_wait3A_22 : memref<1x49x128xi32, #tpu.memory_space<hbm>> -> memref<49x128xi32, #tpu.memory_space<hbm>>
      %dma_wait3A_24 = arith.constant 0 : i32
      %dma_wait3A_25 = arith.constant 0 : i32
      %dma_wait3A_26 = tpu.memref_slice %arg4[%add3A, %dma_wait3A_24, %dma_wait3A_25] : memref<32x49x128xi32, #tpu.memory_space<hbm>> -> memref<1x49x128xi32, #tpu.memory_space<hbm>>
      %dma_wait3A_27 = tpu.memref_squeeze %dma_wait3A_26 : memref<1x49x128xi32, #tpu.memory_space<hbm>> -> memref<49x128xi32, #tpu.memory_space<hbm>>
      tpu.wait_dma2 semaphore(%run_scoped3A : memref<!tpu.dma_semaphore, #tpu.memory_space<semaphore_mem>>) src(%dma_wait3A_27 : memref<49x128xi32, #tpu.memory_space<hbm>>) dst(%arg9 : memref<49x128xi32, #tpu.memory_space<vmem>>)
      tpu.yield
    }) : () -> ()
    "tpu.region"() ({
      %run_scoped3A = tpu.sem_alloc : memref<!tpu.dma_semaphore, #tpu.memory_space<semaphore_mem>>
      %dma_start3A = arith.constant 0 : i32
      %dma_start3A_14 = arith.constant 0 : i32
      %dma_start3A_15 = tpu.memref_slice %arg5[%add3A, %dma_start3A, %dma_start3A_14] : memref<32x49x128xi32, #tpu.memory_space<hbm>> -> memref<1x49x128xi32, #tpu.memory_space<hbm>>
      %dma_start3A_16 = tpu.memref_squeeze %dma_start3A_15 : memref<1x49x128xi32, #tpu.memory_space<hbm>> -> memref<49x128xi32, #tpu.memory_space<hbm>>
      %dma_start3A_17 = arith.constant 0 : i32
      %dma_start3A_18 = arith.constant 0 : i32
      %dma_start3A_19 = tpu.memref_slice %arg5[%add3A, %dma_start3A_17, %dma_start3A_18] : memref<32x49x128xi32, #tpu.memory_space<hbm>> -> memref<1x49x128xi32, #tpu.memory_space<hbm>>
      %dma_start3A_20 = tpu.memref_squeeze %dma_start3A_19 : memref<1x49x128xi32, #tpu.memory_space<hbm>> -> memref<49x128xi32, #tpu.memory_space<hbm>>
      tpu.enqueue_dma source(%dma_start3A_20 : memref<49x128xi32, #tpu.memory_space<hbm>>) target(%arg10 : memref<49x128xi32, #tpu.memory_space<vmem>>) target_semaphore(%run_scoped3A : memref<!tpu.dma_semaphore, #tpu.memory_space<semaphore_mem>>)
      %dma_wait3A = arith.constant 0 : i32
      %dma_wait3A_21 = arith.constant 0 : i32
      %dma_wait3A_22 = tpu.memref_slice %arg5[%add3A, %dma_wait3A, %dma_wait3A_21] : memref<32x49x128xi32, #tpu.memory_space<hbm>> -> memref<1x49x128xi32, #tpu.memory_space<hbm>>
      %dma_wait3A_23 = tpu.memref_squeeze %dma_wait3A_22 : memref<1x49x128xi32, #tpu.memory_space<hbm>> -> memref<49x128xi32, #tpu.memory_space<hbm>>
      %dma_wait3A_24 = arith.constant 0 : i32
      %dma_wait3A_25 = arith.constant 0 : i32
      %dma_wait3A_26 = tpu.memref_slice %arg5[%add3A, %dma_wait3A_24, %dma_wait3A_25] : memref<32x49x128xi32, #tpu.memory_space<hbm>> -> memref<1x49x128xi32, #tpu.memory_space<hbm>>
      %dma_wait3A_27 = tpu.memref_squeeze %dma_wait3A_26 : memref<1x49x128xi32, #tpu.memory_space<hbm>> -> memref<49x128xi32, #tpu.memory_space<hbm>>
      tpu.wait_dma2 semaphore(%run_scoped3A : memref<!tpu.dma_semaphore, #tpu.memory_space<semaphore_mem>>) src(%dma_wait3A_27 : memref<49x128xi32, #tpu.memory_space<hbm>>) dst(%arg10 : memref<49x128xi32, #tpu.memory_space<vmem>>)
      tpu.yield
    }) : () -> ()
    %barrier3A = arith.constant 0 : index
    tpu.barrier barrier_id(%barrier3A)
    %scan3A = arith.constant 0 : i32
    %scan3A_3 = arith.constant 0 : i32
    %scan3A_4 = arith.constant 49 : i32
    %scan3A_5 = arith.addi %scan3A_3, %scan3A_4 : i32
    %scan3A_6 = arith.constant 1 : i32
    %scan3A_7 = scf.for %scan3A_14 = %scan3A_3 to %scan3A_5 step %scan3A_6 iter_args(%scan3A_15 = %scan3A) -> (i32)  : i32 {
      %dma_start3A = arith.constant 0 : i32
      %dma_start3A_16 = tpu.memref_slice %arg8[%scan3A_14, %dma_start3A] : memref<49x128xi32, #tpu.memory_space<vmem>> -> memref<1x128xi32, #tpu.memory_space<vmem>>
      %dma_start3A_17 = tpu.memref_squeeze %dma_start3A_16 : memref<1x128xi32, #tpu.memory_space<vmem>> -> memref<128xi32, #tpu.memory_space<vmem>>
      %dma_start3A_18 = arith.constant 0 : i32
      %dma_start3A_19 = arith.constant 0 : i32
      %dma_start3A_20 = tpu.memref_slice %arg2[%dma_start3A_18, %dma_start3A_19] : memref<100352x8xf32, #tpu.memory_space<hbm>> -> memref<100352x8xf32, #tpu.memory_space<hbm>>
      tpu.enqueue_indirect_dma source(%dma_start3A_20 : memref<100352x8xf32, #tpu.memory_space<hbm>>) target(%arg11 : memref<128x8xf32, #tpu.memory_space<vmem>>) offsets(%dma_start3A_17 : memref<128xi32, #tpu.memory_space<vmem>>) semaphore(%arg15 : memref<!tpu.dma_semaphore, #tpu.memory_space<semaphore_mem>>)
      %dma_start3A_21 = arith.constant 0 : i32
      %dma_start3A_22 = tpu.memref_slice %arg9[%scan3A_14, %dma_start3A_21] : memref<49x128xi32, #tpu.memory_space<vmem>> -> memref<1x128xi32, #tpu.memory_space<vmem>>
      %dma_start3A_23 = tpu.memref_squeeze %dma_start3A_22 : memref<1x128xi32, #tpu.memory_space<vmem>> -> memref<128xi32, #tpu.memory_space<vmem>>
      %dma_start3A_24 = arith.constant 0 : i32
      %dma_start3A_25 = arith.constant 0 : i32
      %dma_start3A_26 = tpu.memref_slice %arg2[%dma_start3A_24, %dma_start3A_25] : memref<100352x8xf32, #tpu.memory_space<hbm>> -> memref<100352x8xf32, #tpu.memory_space<hbm>>
      tpu.enqueue_indirect_dma source(%dma_start3A_26 : memref<100352x8xf32, #tpu.memory_space<hbm>>) target(%arg12 : memref<128x8xf32, #tpu.memory_space<vmem>>) offsets(%dma_start3A_23 : memref<128xi32, #tpu.memory_space<vmem>>) semaphore(%arg16 : memref<!tpu.dma_semaphore, #tpu.memory_space<semaphore_mem>>)
      %dma_start3A_27 = arith.constant 0 : i32
      %dma_start3A_28 = tpu.memref_slice %arg10[%scan3A_14, %dma_start3A_27] : memref<49x128xi32, #tpu.memory_space<vmem>> -> memref<1x128xi32, #tpu.memory_space<vmem>>
      %dma_start3A_29 = tpu.memref_squeeze %dma_start3A_28 : memref<1x128xi32, #tpu.memory_space<vmem>> -> memref<128xi32, #tpu.memory_space<vmem>>
      %dma_start3A_30 = arith.constant 0 : i32
      %dma_start3A_31 = arith.constant 0 : i32
      %dma_start3A_32 = tpu.memref_slice %arg2[%dma_start3A_30, %dma_start3A_31] : memref<100352x8xf32, #tpu.memory_space<hbm>> -> memref<100352x8xf32, #tpu.memory_space<hbm>>
      tpu.enqueue_indirect_dma source(%dma_start3A_32 : memref<100352x8xf32, #tpu.memory_space<hbm>>) target(%arg13 : memref<128x8xf32, #tpu.memory_space<vmem>>) offsets(%dma_start3A_29 : memref<128xi32, #tpu.memory_space<vmem>>) semaphore(%arg17 : memref<!tpu.dma_semaphore, #tpu.memory_space<semaphore_mem>>)
      %dma_wait3A = arith.constant 0 : i32
      %dma_wait3A_33 = tpu.memref_slice %arg8[%scan3A_14, %dma_wait3A] : memref<49x128xi32, #tpu.memory_space<vmem>> -> memref<1x128xi32, #tpu.memory_space<vmem>>
      %dma_wait3A_34 = tpu.memref_squeeze %dma_wait3A_33 : memref<1x128xi32, #tpu.memory_space<vmem>> -> memref<128xi32, #tpu.memory_space<vmem>>
      %dma_wait3A_35 = arith.constant 0 : i32
      %dma_wait3A_36 = arith.constant 0 : i32
      %dma_wait3A_37 = tpu.memref_slice %arg2[%dma_wait3A_35, %dma_wait3A_36] : memref<100352x8xf32, #tpu.memory_space<hbm>> -> memref<100352x8xf32, #tpu.memory_space<hbm>>
      tpu.wait_indirect_dma semaphore(%arg15 : memref<!tpu.dma_semaphore, #tpu.memory_space<semaphore_mem>>) src(%dma_wait3A_37 : memref<100352x8xf32, #tpu.memory_space<hbm>>) dst(%arg11 : memref<128x8xf32, #tpu.memory_space<vmem>>)
      %dma_wait3A_38 = arith.constant 0 : i32
      %dma_wait3A_39 = tpu.memref_slice %arg9[%scan3A_14, %dma_wait3A_38] : memref<49x128xi32, #tpu.memory_space<vmem>> -> memref<1x128xi32, #tpu.memory_space<vmem>>
      %dma_wait3A_40 = tpu.memref_squeeze %dma_wait3A_39 : memref<1x128xi32, #tpu.memory_space<vmem>> -> memref<128xi32, #tpu.memory_space<vmem>>
      %dma_wait3A_41 = arith.constant 0 : i32
      %dma_wait3A_42 = arith.constant 0 : i32
      %dma_wait3A_43 = tpu.memref_slice %arg2[%dma_wait3A_41, %dma_wait3A_42] : memref<100352x8xf32, #tpu.memory_space<hbm>> -> memref<100352x8xf32, #tpu.memory_space<hbm>>
      tpu.wait_indirect_dma semaphore(%arg16 : memref<!tpu.dma_semaphore, #tpu.memory_space<semaphore_mem>>) src(%dma_wait3A_43 : memref<100352x8xf32, #tpu.memory_space<hbm>>) dst(%arg12 : memref<128x8xf32, #tpu.memory_space<vmem>>)
      %dma_wait3A_44 = arith.constant 0 : i32
      %dma_wait3A_45 = tpu.memref_slice %arg10[%scan3A_14, %dma_wait3A_44] : memref<49x128xi32, #tpu.memory_space<vmem>> -> memref<1x128xi32, #tpu.memory_space<vmem>>
      %dma_wait3A_46 = tpu.memref_squeeze %dma_wait3A_45 : memref<1x128xi32, #tpu.memory_space<vmem>> -> memref<128xi32, #tpu.memory_space<vmem>>
      %dma_wait3A_47 = arith.constant 0 : i32
      %dma_wait3A_48 = arith.constant 0 : i32
      %dma_wait3A_49 = tpu.memref_slice %arg2[%dma_wait3A_47, %dma_wait3A_48] : memref<100352x8xf32, #tpu.memory_space<hbm>> -> memref<100352x8xf32, #tpu.memory_space<hbm>>
      tpu.wait_indirect_dma semaphore(%arg17 : memref<!tpu.dma_semaphore, #tpu.memory_space<semaphore_mem>>) src(%dma_wait3A_49 : memref<100352x8xf32, #tpu.memory_space<hbm>>) dst(%arg13 : memref<128x8xf32, #tpu.memory_space<vmem>>)
      "tpu.region"() ({
        %run_scoped3A = tpu.sem_alloc : memref<!tpu.dma_semaphore, #tpu.memory_space<semaphore_mem>>
        %dma_start3A_51 = arith.constant 0 : i32
        %dma_start3A_52 = tpu.memref_slice %arg8[%scan3A_14, %dma_start3A_51] : memref<49x128xi32, #tpu.memory_space<vmem>> -> memref<1x128xi32, #tpu.memory_space<vmem>>
        %dma_start3A_53 = tpu.memref_squeeze %dma_start3A_52 : memref<1x128xi32, #tpu.memory_space<vmem>> -> memref<128xi32, #tpu.memory_space<vmem>>
        %dma_start3A_54 = arith.constant 0 : i32
        %dma_start3A_55 = arith.constant 0 : i32
        %dma_start3A_56 = tpu.memref_slice %arg14[%dma_start3A_54, %dma_start3A_55] : memref<100352x8xf32, #tpu.memory_space<vmem_shared>> -> memref<100352x8xf32, #tpu.memory_space<vmem_shared>>
        tpu.enqueue_indirect_dma source(%arg12 : memref<128x8xf32, #tpu.memory_space<vmem>>) target(%dma_start3A_56 : memref<100352x8xf32, #tpu.memory_space<vmem_shared>>) offsets(%dma_start3A_53 : memref<128xi32, #tpu.memory_space<vmem>>) semaphore(%run_scoped3A : memref<!tpu.dma_semaphore, #tpu.memory_space<semaphore_mem>>) {add = true}
        %dma_wait3A_57 = arith.constant 0 : i32
        %dma_wait3A_58 = tpu.memref_slice %arg8[%scan3A_14, %dma_wait3A_57] : memref<49x128xi32, #tpu.memory_space<vmem>> -> memref<1x128xi32, #tpu.memory_space<vmem>>
        %dma_wait3A_59 = tpu.memref_squeeze %dma_wait3A_58 : memref<1x128xi32, #tpu.memory_space<vmem>> -> memref<128xi32, #tpu.memory_space<vmem>>
        %dma_wait3A_60 = arith.constant 0 : i32
        %dma_wait3A_61 = arith.constant 0 : i32
        %dma_wait3A_62 = tpu.memref_slice %arg14[%dma_wait3A_60, %dma_wait3A_61] : memref<100352x8xf32, #tpu.memory_space<vmem_shared>> -> memref<100352x8xf32, #tpu.memory_space<vmem_shared>>
        tpu.wait_indirect_dma semaphore(%run_scoped3A : memref<!tpu.dma_semaphore, #tpu.memory_space<semaphore_mem>>) src(%arg12 : memref<128x8xf32, #tpu.memory_space<vmem>>) dst(%dma_wait3A_62 : memref<100352x8xf32, #tpu.memory_space<vmem_shared>>)
        tpu.yield
      }) : () -> ()
      "tpu.region"() ({
        %run_scoped3A = tpu.sem_alloc : memref<!tpu.dma_semaphore, #tpu.memory_space<semaphore_mem>>
        %dma_start3A_51 = arith.constant 0 : i32
        %dma_start3A_52 = tpu.memref_slice %arg8[%scan3A_14, %dma_start3A_51] : memref<49x128xi32, #tpu.memory_space<vmem>> -> memref<1x128xi32, #tpu.memory_space<vmem>>
        %dma_start3A_53 = tpu.memref_squeeze %dma_start3A_52 : memref<1x128xi32, #tpu.memory_space<vmem>> -> memref<128xi32, #tpu.memory_space<vmem>>
        %dma_start3A_54 = arith.constant 0 : i32
        %dma_start3A_55 = arith.constant 0 : i32
        %dma_start3A_56 = tpu.memref_slice %arg14[%dma_start3A_54, %dma_start3A_55] : memref<100352x8xf32, #tpu.memory_space<vmem_shared>> -> memref<100352x8xf32, #tpu.memory_space<vmem_shared>>
        tpu.enqueue_indirect_dma source(%arg13 : memref<128x8xf32, #tpu.memory_space<vmem>>) target(%dma_start3A_56 : memref<100352x8xf32, #tpu.memory_space<vmem_shared>>) offsets(%dma_start3A_53 : memref<128xi32, #tpu.memory_space<vmem>>) semaphore(%run_scoped3A : memref<!tpu.dma_semaphore, #tpu.memory_space<semaphore_mem>>) {add = true}
        %dma_wait3A_57 = arith.constant 0 : i32
        %dma_wait3A_58 = tpu.memref_slice %arg8[%scan3A_14, %dma_wait3A_57] : memref<49x128xi32, #tpu.memory_space<vmem>> -> memref<1x128xi32, #tpu.memory_space<vmem>>
        %dma_wait3A_59 = tpu.memref_squeeze %dma_wait3A_58 : memref<1x128xi32, #tpu.memory_space<vmem>> -> memref<128xi32, #tpu.memory_space<vmem>>
        %dma_wait3A_60 = arith.constant 0 : i32
        %dma_wait3A_61 = arith.constant 0 : i32
        %dma_wait3A_62 = tpu.memref_slice %arg14[%dma_wait3A_60, %dma_wait3A_61] : memref<100352x8xf32, #tpu.memory_space<vmem_shared>> -> memref<100352x8xf32, #tpu.memory_space<vmem_shared>>
        tpu.wait_indirect_dma semaphore(%run_scoped3A : memref<!tpu.dma_semaphore, #tpu.memory_space<semaphore_mem>>) src(%arg13 : memref<128x8xf32, #tpu.memory_space<vmem>>) dst(%dma_wait3A_62 : memref<100352x8xf32, #tpu.memory_space<vmem_shared>>)
        tpu.yield
      }) : () -> ()
      "tpu.region"() ({
        %run_scoped3A = tpu.sem_alloc : memref<!tpu.dma_semaphore, #tpu.memory_space<semaphore_mem>>
        %dma_start3A_51 = arith.constant 0 : i32
        %dma_start3A_52 = tpu.memref_slice %arg9[%scan3A_14, %dma_start3A_51] : memref<49x128xi32, #tpu.memory_space<vmem>> -> memref<1x128xi32, #tpu.memory_space<vmem>>
        %dma_start3A_53 = tpu.memref_squeeze %dma_start3A_52 : memref<1x128xi32, #tpu.memory_space<vmem>> -> memref<128xi32, #tpu.memory_space<vmem>>
        %dma_start3A_54 = arith.constant 0 : i32
        %dma_start3A_55 = arith.constant 0 : i32
        %dma_start3A_56 = tpu.memref_slice %arg14[%dma_start3A_54, %dma_start3A_55] : memref<100352x8xf32, #tpu.memory_space<vmem_shared>> -> memref<100352x8xf32, #tpu.memory_space<vmem_shared>>
        tpu.enqueue_indirect_dma source(%arg11 : memref<128x8xf32, #tpu.memory_space<vmem>>) target(%dma_start3A_56 : memref<100352x8xf32, #tpu.memory_space<vmem_shared>>) offsets(%dma_start3A_53 : memref<128xi32, #tpu.memory_space<vmem>>) semaphore(%run_scoped3A : memref<!tpu.dma_semaphore, #tpu.memory_space<semaphore_mem>>) {add = true}
        %dma_wait3A_57 = arith.constant 0 : i32
        %dma_wait3A_58 = tpu.memref_slice %arg9[%scan3A_14, %dma_wait3A_57] : memref<49x128xi32, #tpu.memory_space<vmem>> -> memref<1x128xi32, #tpu.memory_space<vmem>>
        %dma_wait3A_59 = tpu.memref_squeeze %dma_wait3A_58 : memref<1x128xi32, #tpu.memory_space<vmem>> -> memref<128xi32, #tpu.memory_space<vmem>>
        %dma_wait3A_60 = arith.constant 0 : i32
        %dma_wait3A_61 = arith.constant 0 : i32
        %dma_wait3A_62 = tpu.memref_slice %arg14[%dma_wait3A_60, %dma_wait3A_61] : memref<100352x8xf32, #tpu.memory_space<vmem_shared>> -> memref<100352x8xf32, #tpu.memory_space<vmem_shared>>
        tpu.wait_indirect_dma semaphore(%run_scoped3A : memref<!tpu.dma_semaphore, #tpu.memory_space<semaphore_mem>>) src(%arg11 : memref<128x8xf32, #tpu.memory_space<vmem>>) dst(%dma_wait3A_62 : memref<100352x8xf32, #tpu.memory_space<vmem_shared>>)
        tpu.yield
      }) : () -> ()
      "tpu.region"() ({
        %run_scoped3A = tpu.sem_alloc : memref<!tpu.dma_semaphore, #tpu.memory_space<semaphore_mem>>
        %dma_start3A_51 = arith.constant 0 : i32
        %dma_start3A_52 = tpu.memref_slice %arg9[%scan3A_14, %dma_start3A_51] : memref<49x128xi32, #tpu.memory_space<vmem>> -> memref<1x128xi32, #tpu.memory_space<vmem>>
        %dma_start3A_53 = tpu.memref_squeeze %dma_start3A_52 : memref<1x128xi32, #tpu.memory_space<vmem>> -> memref<128xi32, #tpu.memory_space<vmem>>
        %dma_start3A_54 = arith.constant 0 : i32
        %dma_start3A_55 = arith.constant 0 : i32
        %dma_start3A_56 = tpu.memref_slice %arg14[%dma_start3A_54, %dma_start3A_55] : memref<100352x8xf32, #tpu.memory_space<vmem_shared>> -> memref<100352x8xf32, #tpu.memory_space<vmem_shared>>
        tpu.enqueue_indirect_dma source(%arg13 : memref<128x8xf32, #tpu.memory_space<vmem>>) target(%dma_start3A_56 : memref<100352x8xf32, #tpu.memory_space<vmem_shared>>) offsets(%dma_start3A_53 : memref<128xi32, #tpu.memory_space<vmem>>) semaphore(%run_scoped3A : memref<!tpu.dma_semaphore, #tpu.memory_space<semaphore_mem>>) {add = true}
        %dma_wait3A_57 = arith.constant 0 : i32
        %dma_wait3A_58 = tpu.memref_slice %arg9[%scan3A_14, %dma_wait3A_57] : memref<49x128xi32, #tpu.memory_space<vmem>> -> memref<1x128xi32, #tpu.memory_space<vmem>>
        %dma_wait3A_59 = tpu.memref_squeeze %dma_wait3A_58 : memref<1x128xi32, #tpu.memory_space<vmem>> -> memref<128xi32, #tpu.memory_space<vmem>>
        %dma_wait3A_60 = arith.constant 0 : i32
        %dma_wait3A_61 = arith.constant 0 : i32
        %dma_wait3A_62 = tpu.memref_slice %arg14[%dma_wait3A_60, %dma_wait3A_61] : memref<100352x8xf32, #tpu.memory_space<vmem_shared>> -> memref<100352x8xf32, #tpu.memory_space<vmem_shared>>
        tpu.wait_indirect_dma semaphore(%run_scoped3A : memref<!tpu.dma_semaphore, #tpu.memory_space<semaphore_mem>>) src(%arg13 : memref<128x8xf32, #tpu.memory_space<vmem>>) dst(%dma_wait3A_62 : memref<100352x8xf32, #tpu.memory_space<vmem_shared>>)
        tpu.yield
      }) : () -> ()
      "tpu.region"() ({
        %run_scoped3A = tpu.sem_alloc : memref<!tpu.dma_semaphore, #tpu.memory_space<semaphore_mem>>
        %dma_start3A_51 = arith.constant 0 : i32
        %dma_start3A_52 = tpu.memref_slice %arg10[%scan3A_14, %dma_start3A_51] : memref<49x128xi32, #tpu.memory_space<vmem>> -> memref<1x128xi32, #tpu.memory_space<vmem>>
        %dma_start3A_53 = tpu.memref_squeeze %dma_start3A_52 : memref<1x128xi32, #tpu.memory_space<vmem>> -> memref<128xi32, #tpu.memory_space<vmem>>
        %dma_start3A_54 = arith.constant 0 : i32
        %dma_start3A_55 = arith.constant 0 : i32
        %dma_start3A_56 = tpu.memref_slice %arg14[%dma_start3A_54, %dma_start3A_55] : memref<100352x8xf32, #tpu.memory_space<vmem_shared>> -> memref<100352x8xf32, #tpu.memory_space<vmem_shared>>
        tpu.enqueue_indirect_dma source(%arg11 : memref<128x8xf32, #tpu.memory_space<vmem>>) target(%dma_start3A_56 : memref<100352x8xf32, #tpu.memory_space<vmem_shared>>) offsets(%dma_start3A_53 : memref<128xi32, #tpu.memory_space<vmem>>) semaphore(%run_scoped3A : memref<!tpu.dma_semaphore, #tpu.memory_space<semaphore_mem>>) {add = true}
        %dma_wait3A_57 = arith.constant 0 : i32
        %dma_wait3A_58 = tpu.memref_slice %arg10[%scan3A_14, %dma_wait3A_57] : memref<49x128xi32, #tpu.memory_space<vmem>> -> memref<1x128xi32, #tpu.memory_space<vmem>>
        %dma_wait3A_59 = tpu.memref_squeeze %dma_wait3A_58 : memref<1x128xi32, #tpu.memory_space<vmem>> -> memref<128xi32, #tpu.memory_space<vmem>>
        %dma_wait3A_60 = arith.constant 0 : i32
        %dma_wait3A_61 = arith.constant 0 : i32
        %dma_wait3A_62 = tpu.memref_slice %arg14[%dma_wait3A_60, %dma_wait3A_61] : memref<100352x8xf32, #tpu.memory_space<vmem_shared>> -> memref<100352x8xf32, #tpu.memory_space<vmem_shared>>
        tpu.wait_indirect_dma semaphore(%run_scoped3A : memref<!tpu.dma_semaphore, #tpu.memory_space<semaphore_mem>>) src(%arg11 : memref<128x8xf32, #tpu.memory_space<vmem>>) dst(%dma_wait3A_62 : memref<100352x8xf32, #tpu.memory_space<vmem_shared>>)
        tpu.yield
      }) : () -> ()
      "tpu.region"() ({
        %run_scoped3A = tpu.sem_alloc : memref<!tpu.dma_semaphore, #tpu.memory_space<semaphore_mem>>
        %dma_start3A_51 = arith.constant 0 : i32
        %dma_start3A_52 = tpu.memref_slice %arg10[%scan3A_14, %dma_start3A_51] : memref<49x128xi32, #tpu.memory_space<vmem>> -> memref<1x128xi32, #tpu.memory_space<vmem>>
        %dma_start3A_53 = tpu.memref_squeeze %dma_start3A_52 : memref<1x128xi32, #tpu.memory_space<vmem>> -> memref<128xi32, #tpu.memory_space<vmem>>
        %dma_start3A_54 = arith.constant 0 : i32
        %dma_start3A_55 = arith.constant 0 : i32
        %dma_start3A_56 = tpu.memref_slice %arg14[%dma_start3A_54, %dma_start3A_55] : memref<100352x8xf32, #tpu.memory_space<vmem_shared>> -> memref<100352x8xf32, #tpu.memory_space<vmem_shared>>
        tpu.enqueue_indirect_dma source(%arg12 : memref<128x8xf32, #tpu.memory_space<vmem>>) target(%dma_start3A_56 : memref<100352x8xf32, #tpu.memory_space<vmem_shared>>) offsets(%dma_start3A_53 : memref<128xi32, #tpu.memory_space<vmem>>) semaphore(%run_scoped3A : memref<!tpu.dma_semaphore, #tpu.memory_space<semaphore_mem>>) {add = true}
        %dma_wait3A_57 = arith.constant 0 : i32
        %dma_wait3A_58 = tpu.memref_slice %arg10[%scan3A_14, %dma_wait3A_57] : memref<49x128xi32, #tpu.memory_space<vmem>> -> memref<1x128xi32, #tpu.memory_space<vmem>>
        %dma_wait3A_59 = tpu.memref_squeeze %dma_wait3A_58 : memref<1x128xi32, #tpu.memory_space<vmem>> -> memref<128xi32, #tpu.memory_space<vmem>>
        %dma_wait3A_60 = arith.constant 0 : i32
        %dma_wait3A_61 = arith.constant 0 : i32
        %dma_wait3A_62 = tpu.memref_slice %arg14[%dma_wait3A_60, %dma_wait3A_61] : memref<100352x8xf32, #tpu.memory_space<vmem_shared>> -> memref<100352x8xf32, #tpu.memory_space<vmem_shared>>
        tpu.wait_indirect_dma semaphore(%run_scoped3A : memref<!tpu.dma_semaphore, #tpu.memory_space<semaphore_mem>>) src(%arg12 : memref<128x8xf32, #tpu.memory_space<vmem>>) dst(%dma_wait3A_62 : memref<100352x8xf32, #tpu.memory_space<vmem_shared>>)
        tpu.yield
      }) : () -> ()
      %scan3A_50 = arith.constant 0 : i32
      scf.yield %scan3A_50 : i32
    }
    %scan3A_8 = arith.constant 49 : i32
    %barrier3A_9 = arith.constant 0 : index
    tpu.barrier barrier_id(%barrier3A_9)
    %mul3A_10 = arith.constant 6272 : i32
    %mul3A_11 = arith.muli %arg1, %mul3A_10 : i32
    %mul3A_12 = arith.constant 6272 : i32
    %mul3A_13 = arith.muli %arg1, %mul3A_12 : i32
    "tpu.region"() ({
      %run_scoped3A = tpu.sem_alloc : memref<!tpu.dma_semaphore, #tpu.memory_space<semaphore_mem>>
      %dma_start3A = arith.constant 0 : i32
      %dma_start3A_14 = tpu.memref_slice %arg7[%arg0, %mul3A_13, %dma_start3A] : memref<2x100352x8xf32, #tpu.memory_space<hbm>> -> memref<1x6272x8xf32, #tpu.memory_space<hbm>>
      %dma_start3A_15 = tpu.memref_squeeze %dma_start3A_14 : memref<1x6272x8xf32, #tpu.memory_space<hbm>> -> memref<6272x8xf32, #tpu.memory_space<hbm>>
      %dma_start3A_16 = arith.constant 0 : i32
      %dma_start3A_17 = tpu.memref_slice %arg14[%mul3A_11, %dma_start3A_16] : memref<100352x8xf32, #tpu.memory_space<vmem_shared>> -> memref<6272x8xf32, #tpu.memory_space<vmem_shared>>
      tpu.enqueue_dma source(%dma_start3A_17 : memref<6272x8xf32, #tpu.memory_space<vmem_shared>>) target(%dma_start3A_15 : memref<6272x8xf32, #tpu.memory_space<hbm>>) target_semaphore(%run_scoped3A : memref<!tpu.dma_semaphore, #tpu.memory_space<semaphore_mem>>)
      %dma_wait3A = arith.constant 0 : i32
      %dma_wait3A_18 = tpu.memref_slice %arg7[%arg0, %mul3A_13, %dma_wait3A] : memref<2x100352x8xf32, #tpu.memory_space<hbm>> -> memref<1x6272x8xf32, #tpu.memory_space<hbm>>
      %dma_wait3A_19 = tpu.memref_squeeze %dma_wait3A_18 : memref<1x6272x8xf32, #tpu.memory_space<hbm>> -> memref<6272x8xf32, #tpu.memory_space<hbm>>
      %dma_wait3A_20 = arith.constant 0 : i32
      %dma_wait3A_21 = tpu.memref_slice %arg14[%mul3A_11, %dma_wait3A_20] : memref<100352x8xf32, #tpu.memory_space<vmem_shared>> -> memref<6272x8xf32, #tpu.memory_space<vmem_shared>>
      tpu.wait_dma2 semaphore(%run_scoped3A : memref<!tpu.dma_semaphore, #tpu.memory_space<semaphore_mem>>) src(%dma_wait3A_21 : memref<6272x8xf32, #tpu.memory_space<vmem_shared>>) dst(%dma_wait3A_19 : memref<6272x8xf32, #tpu.memory_space<hbm>>)
      tpu.yield
    }) : () -> ()
    return
  }
}

#map = affine_map<(d0, d1) -> (0, 0, 0)>
#map1 = affine_map<(d0, d1) -> (0, 0)>
#map2 = affine_map<(d0, d1) -> (0)>
module attributes {stable_mosaic.version = 14 : i64} {
  func.func @_loss_body(%arg0: i32, %arg1: i32, %arg2: memref<2x100352x8xf32, #tpu.memory_space<hbm>>, %arg3: memref<100352x8xf32, #tpu.memory_space<hbm>>, %arg4: memref<100352xf32, #tpu.memory_space<hbm>>, %arg5: memref<64xf32, #tpu.memory_space<hbm>>, %arg6: memref<3136x8xf32, #tpu.memory_space<vmem>>, %arg7: memref<3136x8xf32, #tpu.memory_space<vmem>>, %arg8: memref<3136x8xf32, #tpu.memory_space<vmem>>, %arg9: memref<3136xf32, #tpu.memory_space<vmem>>, %arg10: memref<32xf32, #tpu.memory_space<vmem>>, %arg11: memref<512xf32, #tpu.memory_space<vmem>>, %arg12: memref<32xf32, #tpu.memory_space<vmem>>, %arg13: memref<512xf32, #tpu.memory_space<vmem_shared>>) attributes {dimension_semantics = [#tpu.dimension_semantics<core_parallel>, #tpu.dimension_semantics<subcore_parallel>], iteration_bounds = array<i64: 2, 16>, scalar_prefetch = 0 : i64, scratch_operands = 8 : i64, tpu.core_type = #tpu.core_type<sc_vector_subcore>, window_params = [{transform_indices = #map}, {transform_indices = #map1}, {transform_indices = #map2}, {transform_indices = #map2}]} {
    %mul3A = arith.constant 16 : i32
    %mul3A_0 = arith.muli %arg0, %mul3A : i32
    %add3A = arith.addi %mul3A_0, %arg1 : i32
    %mul3A_1 = arith.constant 3136 : i32
    %mul3A_2 = arith.muli %add3A, %mul3A_1 : i32
    %run_scoped3A = arith.constant 0 : i32
    "tpu.region"() ({
      %run_scoped3A_39 = tpu.sem_alloc : memref<!tpu.dma_semaphore, #tpu.memory_space<semaphore_mem>>
      %dma_start3A = arith.constant 0 : i32
      %dma_start3A_40 = tpu.memref_slice %arg2[%run_scoped3A, %mul3A_2, %dma_start3A] : memref<2x100352x8xf32, #tpu.memory_space<hbm>> -> memref<1x3136x8xf32, #tpu.memory_space<hbm>>
      %dma_start3A_41 = tpu.memref_squeeze %dma_start3A_40 : memref<1x3136x8xf32, #tpu.memory_space<hbm>> -> memref<3136x8xf32, #tpu.memory_space<hbm>>
      %dma_start3A_42 = arith.constant 0 : i32
      %dma_start3A_43 = tpu.memref_slice %arg2[%run_scoped3A, %mul3A_2, %dma_start3A_42] : memref<2x100352x8xf32, #tpu.memory_space<hbm>> -> memref<1x3136x8xf32, #tpu.memory_space<hbm>>
      %dma_start3A_44 = tpu.memref_squeeze %dma_start3A_43 : memref<1x3136x8xf32, #tpu.memory_space<hbm>> -> memref<3136x8xf32, #tpu.memory_space<hbm>>
      tpu.enqueue_dma source(%dma_start3A_44 : memref<3136x8xf32, #tpu.memory_space<hbm>>) target(%arg6 : memref<3136x8xf32, #tpu.memory_space<vmem>>) target_semaphore(%run_scoped3A_39 : memref<!tpu.dma_semaphore, #tpu.memory_space<semaphore_mem>>)
      %dma_wait3A = arith.constant 0 : i32
      %dma_wait3A_45 = tpu.memref_slice %arg2[%run_scoped3A, %mul3A_2, %dma_wait3A] : memref<2x100352x8xf32, #tpu.memory_space<hbm>> -> memref<1x3136x8xf32, #tpu.memory_space<hbm>>
      %dma_wait3A_46 = tpu.memref_squeeze %dma_wait3A_45 : memref<1x3136x8xf32, #tpu.memory_space<hbm>> -> memref<3136x8xf32, #tpu.memory_space<hbm>>
      %dma_wait3A_47 = arith.constant 0 : i32
      %dma_wait3A_48 = tpu.memref_slice %arg2[%run_scoped3A, %mul3A_2, %dma_wait3A_47] : memref<2x100352x8xf32, #tpu.memory_space<hbm>> -> memref<1x3136x8xf32, #tpu.memory_space<hbm>>
      %dma_wait3A_49 = tpu.memref_squeeze %dma_wait3A_48 : memref<1x3136x8xf32, #tpu.memory_space<hbm>> -> memref<3136x8xf32, #tpu.memory_space<hbm>>
      tpu.wait_dma2 semaphore(%run_scoped3A_39 : memref<!tpu.dma_semaphore, #tpu.memory_space<semaphore_mem>>) src(%dma_wait3A_49 : memref<3136x8xf32, #tpu.memory_space<hbm>>) dst(%arg6 : memref<3136x8xf32, #tpu.memory_space<vmem>>)
      tpu.yield
    }) : () -> ()
    %run_scoped3A_3 = arith.constant 1 : i32
    "tpu.region"() ({
      %run_scoped3A_39 = tpu.sem_alloc : memref<!tpu.dma_semaphore, #tpu.memory_space<semaphore_mem>>
      %dma_start3A = arith.constant 0 : i32
      %dma_start3A_40 = tpu.memref_slice %arg2[%run_scoped3A_3, %mul3A_2, %dma_start3A] : memref<2x100352x8xf32, #tpu.memory_space<hbm>> -> memref<1x3136x8xf32, #tpu.memory_space<hbm>>
      %dma_start3A_41 = tpu.memref_squeeze %dma_start3A_40 : memref<1x3136x8xf32, #tpu.memory_space<hbm>> -> memref<3136x8xf32, #tpu.memory_space<hbm>>
      %dma_start3A_42 = arith.constant 0 : i32
      %dma_start3A_43 = tpu.memref_slice %arg2[%run_scoped3A_3, %mul3A_2, %dma_start3A_42] : memref<2x100352x8xf32, #tpu.memory_space<hbm>> -> memref<1x3136x8xf32, #tpu.memory_space<hbm>>
      %dma_start3A_44 = tpu.memref_squeeze %dma_start3A_43 : memref<1x3136x8xf32, #tpu.memory_space<hbm>> -> memref<3136x8xf32, #tpu.memory_space<hbm>>
      tpu.enqueue_dma source(%dma_start3A_44 : memref<3136x8xf32, #tpu.memory_space<hbm>>) target(%arg7 : memref<3136x8xf32, #tpu.memory_space<vmem>>) target_semaphore(%run_scoped3A_39 : memref<!tpu.dma_semaphore, #tpu.memory_space<semaphore_mem>>)
      %dma_wait3A = arith.constant 0 : i32
      %dma_wait3A_45 = tpu.memref_slice %arg2[%run_scoped3A_3, %mul3A_2, %dma_wait3A] : memref<2x100352x8xf32, #tpu.memory_space<hbm>> -> memref<1x3136x8xf32, #tpu.memory_space<hbm>>
      %dma_wait3A_46 = tpu.memref_squeeze %dma_wait3A_45 : memref<1x3136x8xf32, #tpu.memory_space<hbm>> -> memref<3136x8xf32, #tpu.memory_space<hbm>>
      %dma_wait3A_47 = arith.constant 0 : i32
      %dma_wait3A_48 = tpu.memref_slice %arg2[%run_scoped3A_3, %mul3A_2, %dma_wait3A_47] : memref<2x100352x8xf32, #tpu.memory_space<hbm>> -> memref<1x3136x8xf32, #tpu.memory_space<hbm>>
      %dma_wait3A_49 = tpu.memref_squeeze %dma_wait3A_48 : memref<1x3136x8xf32, #tpu.memory_space<hbm>> -> memref<3136x8xf32, #tpu.memory_space<hbm>>
      tpu.wait_dma2 semaphore(%run_scoped3A_39 : memref<!tpu.dma_semaphore, #tpu.memory_space<semaphore_mem>>) src(%dma_wait3A_49 : memref<3136x8xf32, #tpu.memory_space<hbm>>) dst(%arg7 : memref<3136x8xf32, #tpu.memory_space<vmem>>)
      tpu.yield
    }) : () -> ()
    "tpu.region"() ({
      %run_scoped3A_39 = tpu.sem_alloc : memref<!tpu.dma_semaphore, #tpu.memory_space<semaphore_mem>>
      %dma_start3A = arith.constant 0 : i32
      %dma_start3A_40 = tpu.memref_slice %arg3[%mul3A_2, %dma_start3A] : memref<100352x8xf32, #tpu.memory_space<hbm>> -> memref<3136x8xf32, #tpu.memory_space<hbm>>
      %dma_start3A_41 = arith.constant 0 : i32
      %dma_start3A_42 = tpu.memref_slice %arg3[%mul3A_2, %dma_start3A_41] : memref<100352x8xf32, #tpu.memory_space<hbm>> -> memref<3136x8xf32, #tpu.memory_space<hbm>>
      tpu.enqueue_dma source(%dma_start3A_42 : memref<3136x8xf32, #tpu.memory_space<hbm>>) target(%arg8 : memref<3136x8xf32, #tpu.memory_space<vmem>>) target_semaphore(%run_scoped3A_39 : memref<!tpu.dma_semaphore, #tpu.memory_space<semaphore_mem>>)
      %dma_wait3A = arith.constant 0 : i32
      %dma_wait3A_43 = tpu.memref_slice %arg3[%mul3A_2, %dma_wait3A] : memref<100352x8xf32, #tpu.memory_space<hbm>> -> memref<3136x8xf32, #tpu.memory_space<hbm>>
      %dma_wait3A_44 = arith.constant 0 : i32
      %dma_wait3A_45 = tpu.memref_slice %arg3[%mul3A_2, %dma_wait3A_44] : memref<100352x8xf32, #tpu.memory_space<hbm>> -> memref<3136x8xf32, #tpu.memory_space<hbm>>
      tpu.wait_dma2 semaphore(%run_scoped3A_39 : memref<!tpu.dma_semaphore, #tpu.memory_space<semaphore_mem>>) src(%dma_wait3A_45 : memref<3136x8xf32, #tpu.memory_space<hbm>>) dst(%arg8 : memref<3136x8xf32, #tpu.memory_space<vmem>>)
      tpu.yield
    }) : () -> ()
    "tpu.region"() ({
      %run_scoped3A_39 = tpu.sem_alloc : memref<!tpu.dma_semaphore, #tpu.memory_space<semaphore_mem>>
      %dma_start3A = tpu.memref_slice %arg4[%mul3A_2] : memref<100352xf32, #tpu.memory_space<hbm>> -> memref<3136xf32, #tpu.memory_space<hbm>>
      %dma_start3A_40 = tpu.memref_slice %arg4[%mul3A_2] : memref<100352xf32, #tpu.memory_space<hbm>> -> memref<3136xf32, #tpu.memory_space<hbm>>
      tpu.enqueue_dma source(%dma_start3A_40 : memref<3136xf32, #tpu.memory_space<hbm>>) target(%arg9 : memref<3136xf32, #tpu.memory_space<vmem>>) target_semaphore(%run_scoped3A_39 : memref<!tpu.dma_semaphore, #tpu.memory_space<semaphore_mem>>)
      %dma_wait3A = tpu.memref_slice %arg4[%mul3A_2] : memref<100352xf32, #tpu.memory_space<hbm>> -> memref<3136xf32, #tpu.memory_space<hbm>>
      %dma_wait3A_41 = tpu.memref_slice %arg4[%mul3A_2] : memref<100352xf32, #tpu.memory_space<hbm>> -> memref<3136xf32, #tpu.memory_space<hbm>>
      tpu.wait_dma2 semaphore(%run_scoped3A_39 : memref<!tpu.dma_semaphore, #tpu.memory_space<semaphore_mem>>) src(%dma_wait3A_41 : memref<3136xf32, #tpu.memory_space<hbm>>) dst(%arg9 : memref<3136xf32, #tpu.memory_space<vmem>>)
      tpu.yield
    }) : () -> ()
    %iota3A = tpu.iota {dimensions = array<i32: 0>} : vector<16xi32>
    %shift_right_logical3A = arith.constant 3 : i32
    %shift_right_logical3A_4 = vector.broadcast %shift_right_logical3A : i32 to vector<16xi32>
    %shift_right_logical3A_5 = arith.shrui %iota3A, %shift_right_logical3A_4 : vector<16xi32>
    %and3A = arith.constant 7 : i32
    %and3A_6 = vector.broadcast %and3A : i32 to vector<16xi32>
    %and3A_7 = arith.andi %iota3A, %and3A_6 : vector<16xi32>
    %lt3A = arith.constant 3 : i32
    %lt3A_8 = vector.broadcast %lt3A : i32 to vector<16xi32>
    %lt3A_9 = arith.cmpi slt, %and3A_7, %lt3A_8 : vector<16xi32>
    %eq3A = arith.constant 0 : i32
    %eq3A_10 = vector.broadcast %eq3A : i32 to vector<16xi32>
    %eq3A_11 = arith.cmpi eq, %and3A_7, %eq3A_10 : vector<16xi32>
    %and3A_12 = arith.constant 8 : i32
    %and3A_13 = vector.broadcast %and3A_12 : i32 to vector<16xi32>
    %and3A_14 = arith.andi %iota3A, %and3A_13 : vector<16xi32>
    %or3A = arith.constant 3 : i32
    %or3A_15 = vector.broadcast %or3A : i32 to vector<16xi32>
    %or3A_16 = arith.ori %and3A_14, %or3A_15 : vector<16xi32>
    %xor3A = arith.constant 1 : i32
    %xor3A_17 = vector.broadcast %xor3A : i32 to vector<16xi32>
    %xor3A_18 = arith.xori %iota3A, %xor3A_17 : vector<16xi32>
    %xor3A_19 = arith.constant 2 : i32
    %xor3A_20 = vector.broadcast %xor3A_19 : i32 to vector<16xi32>
    %xor3A_21 = arith.xori %iota3A, %xor3A_20 : vector<16xi32>
    %xor3A_22 = arith.constant 4 : i32
    %xor3A_23 = vector.broadcast %xor3A_22 : i32 to vector<16xi32>
    %xor3A_24 = arith.xori %iota3A, %xor3A_23 : vector<16xi32>
    %broadcast_in_dim3A = arith.constant 0.000000e+00 : f32
    %broadcast_in_dim3A_25 = vector.broadcast %broadcast_in_dim3A : f32 to vector<16xf32>
    %scan3A = arith.constant 0 : i32
    %scan3A_26 = arith.constant 196 : i32
    %scan3A_27 = arith.addi %scan3A, %scan3A_26 : i32
    %scan3A_28 = arith.constant 1 : i32
    %scan3A_29:2 = scf.for %scan3A_39 = %scan3A to %scan3A_27 step %scan3A_28 iter_args(%scan3A_40 = %broadcast_in_dim3A_25, %scan3A_41 = %broadcast_in_dim3A_25) -> (vector<16xf32>, vector<16xf32>)  : i32 {
      %mul3A_42 = arith.constant 16 : i32
      %mul3A_43 = arith.muli %scan3A_39, %mul3A_42 : i32
      %get3A = arith.index_cast %mul3A_43 : i32 to index
      %get3A_44 = tpu.vector_load %arg9[%get3A] {strides = array<i32>} : memref<3136xf32, #tpu.memory_space<vmem>>, vector<16xf32>,
      %mul3A_45 = arith.constant 8 : i32
      %mul3A_46 = arith.muli %mul3A_45, %scan3A_39 : i32
      %add3A_47 = arith.constant 0 : i32
      %add3A_48 = arith.addi %mul3A_46, %add3A_47 : i32
      %mul3A_49 = arith.constant 2 : i32
      %mul3A_50 = arith.muli %mul3A_49, %add3A_48 : i32
      %add3A_51 = vector.broadcast %mul3A_50 : i32 to vector<16xi32>
      %add3A_52 = arith.addi %add3A_51, %shift_right_logical3A_5 : vector<16xi32>
      %gather3A = tpu.vector_load_idx %arg6[%add3A_52, %and3A_7] : memref<3136x8xf32, #tpu.memory_space<vmem>>[vector<16xi32>, vector<16xi32>], vector<16xf32>,
      %gather3A_53 = tpu.vector_load_idx %arg7[%add3A_52, %and3A_7] : memref<3136x8xf32, #tpu.memory_space<vmem>>[vector<16xi32>, vector<16xi32>], vector<16xf32>,
      %add3A_54 = arith.addf %gather3A, %gather3A_53 : vector<16xf32>
      %gather3A_55 = tpu.vector_load_idx %arg8[%add3A_52, %and3A_7] : memref<3136x8xf32, #tpu.memory_space<vmem>>[vector<16xi32>, vector<16xi32>], vector<16xf32>,
      %broadcast_in_dim3A_56 = vector.shape_cast %or3A_16 : vector<16xi32> to vector<16x1xi32>
      %gather3A_57 = vector.shape_cast %broadcast_in_dim3A_56 : vector<16x1xi32> to vector<16xi32>
      %gather3A_58 = tpu.dynamic_gather %add3A_54[%gather3A_57] in [0] : vector<16xf32>, vector<16xi32> -> vector<16xf32>
      %max3A = arith.constant 1.000000e+00 : f32
      %max3A_59 = vector.broadcast %max3A : f32 to vector<16xf32>
      %max3A_60 = arith.maximumf %gather3A_58, %max3A_59 : vector<16xf32>
      %div3A = arith.divf %add3A_54, %max3A_60 : vector<16xf32>
      %sub3A = arith.subf %div3A, %gather3A_55 : vector<16xf32>
      %jit3A = arith.constant 0.000000e+00 : f32
      %broadcast_in_dim3A_61 = vector.broadcast %jit3A : f32 to vector<16xf32>
      %select_n3A = arith.select %lt3A_9, %sub3A, %broadcast_in_dim3A_61 : vector<16xi1>, vector<16xf32>
      %mul3A_62 = arith.mulf %select_n3A, %select_n3A : vector<16xf32>
      %broadcast_in_dim3A_63 = vector.shape_cast %xor3A_18 : vector<16xi32> to vector<16x1xi32>
      %gather3A_64 = vector.shape_cast %broadcast_in_dim3A_63 : vector<16x1xi32> to vector<16xi32>
      %gather3A_65 = tpu.dynamic_gather %mul3A_62[%gather3A_64] in [0] : vector<16xf32>, vector<16xi32> -> vector<16xf32>
      %add3A_66 = arith.addf %mul3A_62, %gather3A_65 : vector<16xf32>
      %broadcast_in_dim3A_67 = vector.shape_cast %xor3A_21 : vector<16xi32> to vector<16x1xi32>
      %gather3A_68 = vector.shape_cast %broadcast_in_dim3A_67 : vector<16x1xi32> to vector<16xi32>
      %gather3A_69 = tpu.dynamic_gather %add3A_66[%gather3A_68] in [0] : vector<16xf32>, vector<16xi32> -> vector<16xf32>
      %add3A_70 = arith.addf %add3A_66, %gather3A_69 : vector<16xf32>
      %broadcast_in_dim3A_71 = vector.shape_cast %xor3A_24 : vector<16xi32> to vector<16x1xi32>
      %gather3A_72 = vector.shape_cast %broadcast_in_dim3A_71 : vector<16x1xi32> to vector<16xi32>
      %gather3A_73 = tpu.dynamic_gather %add3A_70[%gather3A_72] in [0] : vector<16xf32>, vector<16xi32> -> vector<16xf32>
      %add3A_74 = arith.addf %add3A_70, %gather3A_73 : vector<16xf32>
      %bitcast3A = vector.bitcast %add3A_74 : vector<16xf32> to vector<16xi32>
      %shift_right_logical3A_75 = arith.constant 1 : i32
      %shift_right_logical3A_76 = vector.broadcast %shift_right_logical3A_75 : i32 to vector<16xi32>
      %shift_right_logical3A_77 = arith.shrui %bitcast3A, %shift_right_logical3A_76 : vector<16xi32>
      %sub3A_78 = arith.constant 1597463007 : i32
      %sub3A_79 = vector.broadcast %sub3A_78 : i32 to vector<16xi32>
      %sub3A_80 = arith.subi %sub3A_79, %shift_right_logical3A_77 : vector<16xi32>
      %bitcast3A_81 = vector.bitcast %sub3A_80 : vector<16xi32> to vector<16xf32>
      %mul3A_82 = arith.constant 5.000000e-01 : f32
      %mul3A_83 = vector.broadcast %mul3A_82 : f32 to vector<16xf32>
      %mul3A_84 = arith.mulf %mul3A_83, %add3A_74 : vector<16xf32>
      %mul3A_85 = arith.mulf %mul3A_84, %bitcast3A_81 : vector<16xf32>
      %mul3A_86 = arith.mulf %mul3A_85, %bitcast3A_81 : vector<16xf32>
      %sub3A_87 = arith.constant 1.500000e+00 : f32
      %sub3A_88 = vector.broadcast %sub3A_87 : f32 to vector<16xf32>
      %sub3A_89 = arith.subf %sub3A_88, %mul3A_86 : vector<16xf32>
      %mul3A_90 = arith.mulf %bitcast3A_81, %sub3A_89 : vector<16xf32>
      %mul3A_91 = arith.constant 5.000000e-01 : f32
      %mul3A_92 = vector.broadcast %mul3A_91 : f32 to vector<16xf32>
      %mul3A_93 = arith.mulf %mul3A_92, %add3A_74 : vector<16xf32>
      %mul3A_94 = arith.mulf %mul3A_93, %mul3A_90 : vector<16xf32>
      %mul3A_95 = arith.mulf %mul3A_94, %mul3A_90 : vector<16xf32>
      %sub3A_96 = arith.constant 1.500000e+00 : f32
      %sub3A_97 = vector.broadcast %sub3A_96 : f32 to vector<16xf32>
      %sub3A_98 = arith.subf %sub3A_97, %mul3A_95 : vector<16xf32>
      %mul3A_99 = arith.mulf %mul3A_90, %sub3A_98 : vector<16xf32>
      %mul3A_100 = arith.constant 5.000000e-01 : f32
      %mul3A_101 = vector.broadcast %mul3A_100 : f32 to vector<16xf32>
      %mul3A_102 = arith.mulf %mul3A_101, %add3A_74 : vector<16xf32>
      %mul3A_103 = arith.mulf %mul3A_102, %mul3A_99 : vector<16xf32>
      %mul3A_104 = arith.mulf %mul3A_103, %mul3A_99 : vector<16xf32>
      %sub3A_105 = arith.constant 1.500000e+00 : f32
      %sub3A_106 = vector.broadcast %sub3A_105 : f32 to vector<16xf32>
      %sub3A_107 = arith.subf %sub3A_106, %mul3A_104 : vector<16xf32>
      %mul3A_108 = arith.mulf %mul3A_99, %sub3A_107 : vector<16xf32>
      %gt3A = arith.constant 0.000000e+00 : f32
      %gt3A_109 = vector.broadcast %gt3A : f32 to vector<16xf32>
      %gt3A_110 = arith.cmpf ogt, %add3A_74, %gt3A_109 : vector<16xf32>
      %mul3A_111 = arith.mulf %add3A_74, %mul3A_108 : vector<16xf32>
      %jit3A_112 = arith.constant 0.000000e+00 : f32
      %broadcast_in_dim3A_113 = vector.broadcast %jit3A_112 : f32 to vector<16xf32>
      %select_n3A_114 = arith.select %gt3A_110, %mul3A_111, %broadcast_in_dim3A_113 : vector<16xi1>, vector<16xf32>
      %add3A_115 = arith.constant 0 : i32
      %add3A_116 = vector.broadcast %add3A_115 : i32 to vector<16xi32>
      %add3A_117 = arith.addi %add3A_116, %shift_right_logical3A_5 : vector<16xi32>
      %broadcast_in_dim3A_118 = vector.shape_cast %add3A_117 : vector<16xi32> to vector<16x1xi32>
      %gather3A_119 = vector.shape_cast %broadcast_in_dim3A_118 : vector<16x1xi32> to vector<16xi32>
      %gather3A_120 = tpu.dynamic_gather %get3A_44[%gather3A_119] in [0] : vector<16xf32>, vector<16xi32> -> vector<16xf32>
      %select_n3A_121 = arith.select %eq3A_11, %select_n3A_114, %broadcast_in_dim3A_25 : vector<16xi1>, vector<16xf32>
      %add3A_122 = arith.addf %scan3A_40, %select_n3A_121 : vector<16xf32>
      %mul3A_123 = arith.mulf %gather3A_120, %add3A_74 : vector<16xf32>
      %select_n3A_124 = arith.select %eq3A_11, %mul3A_123, %broadcast_in_dim3A_25 : vector<16xi1>, vector<16xf32>
      %add3A_125 = arith.addf %scan3A_41, %select_n3A_124 : vector<16xf32>
      %mul3A_126 = arith.constant 8 : i32
      %mul3A_127 = arith.muli %mul3A_126, %scan3A_39 : i32
      %add3A_128 = arith.constant 1 : i32
      %add3A_129 = arith.addi %mul3A_127, %add3A_128 : i32
      %mul3A_130 = arith.constant 2 : i32
      %mul3A_131 = arith.muli %mul3A_130, %add3A_129 : i32
      %add3A_132 = vector.broadcast %mul3A_131 : i32 to vector<16xi32>
      %add3A_133 = arith.addi %add3A_132, %shift_right_logical3A_5 : vector<16xi32>
      %gather3A_134 = tpu.vector_load_idx %arg6[%add3A_133, %and3A_7] : memref<3136x8xf32, #tpu.memory_space<vmem>>[vector<16xi32>, vector<16xi32>], vector<16xf32>,
      %gather3A_135 = tpu.vector_load_idx %arg7[%add3A_133, %and3A_7] : memref<3136x8xf32, #tpu.memory_space<vmem>>[vector<16xi32>, vector<16xi32>], vector<16xf32>,
      %add3A_136 = arith.addf %gather3A_134, %gather3A_135 : vector<16xf32>
      %gather3A_137 = tpu.vector_load_idx %arg8[%add3A_133, %and3A_7] : memref<3136x8xf32, #tpu.memory_space<vmem>>[vector<16xi32>, vector<16xi32>], vector<16xf32>,
      %broadcast_in_dim3A_138 = vector.shape_cast %or3A_16 : vector<16xi32> to vector<16x1xi32>
      %gather3A_139 = vector.shape_cast %broadcast_in_dim3A_138 : vector<16x1xi32> to vector<16xi32>
      %gather3A_140 = tpu.dynamic_gather %add3A_136[%gather3A_139] in [0] : vector<16xf32>, vector<16xi32> -> vector<16xf32>
      %max3A_141 = arith.constant 1.000000e+00 : f32
      %max3A_142 = vector.broadcast %max3A_141 : f32 to vector<16xf32>
      %max3A_143 = arith.maximumf %gather3A_140, %max3A_142 : vector<16xf32>
      %div3A_144 = arith.divf %add3A_136, %max3A_143 : vector<16xf32>
      %sub3A_145 = arith.subf %div3A_144, %gather3A_137 : vector<16xf32>
      %jit3A_146 = arith.constant 0.000000e+00 : f32
      %broadcast_in_dim3A_147 = vector.broadcast %jit3A_146 : f32 to vector<16xf32>
      %select_n3A_148 = arith.select %lt3A_9, %sub3A_145, %broadcast_in_dim3A_147 : vector<16xi1>, vector<16xf32>
      %mul3A_149 = arith.mulf %select_n3A_148, %select_n3A_148 : vector<16xf32>
      %broadcast_in_dim3A_150 = vector.shape_cast %xor3A_18 : vector<16xi32> to vector<16x1xi32>
      %gather3A_151 = vector.shape_cast %broadcast_in_dim3A_150 : vector<16x1xi32> to vector<16xi32>
      %gather3A_152 = tpu.dynamic_gather %mul3A_149[%gather3A_151] in [0] : vector<16xf32>, vector<16xi32> -> vector<16xf32>
      %add3A_153 = arith.addf %mul3A_149, %gather3A_152 : vector<16xf32>
      %broadcast_in_dim3A_154 = vector.shape_cast %xor3A_21 : vector<16xi32> to vector<16x1xi32>
      %gather3A_155 = vector.shape_cast %broadcast_in_dim3A_154 : vector<16x1xi32> to vector<16xi32>
      %gather3A_156 = tpu.dynamic_gather %add3A_153[%gather3A_155] in [0] : vector<16xf32>, vector<16xi32> -> vector<16xf32>
      %add3A_157 = arith.addf %add3A_153, %gather3A_156 : vector<16xf32>
      %broadcast_in_dim3A_158 = vector.shape_cast %xor3A_24 : vector<16xi32> to vector<16x1xi32>
      %gather3A_159 = vector.shape_cast %broadcast_in_dim3A_158 : vector<16x1xi32> to vector<16xi32>
      %gather3A_160 = tpu.dynamic_gather %add3A_157[%gather3A_159] in [0] : vector<16xf32>, vector<16xi32> -> vector<16xf32>
      %add3A_161 = arith.addf %add3A_157, %gather3A_160 : vector<16xf32>
      %bitcast3A_162 = vector.bitcast %add3A_161 : vector<16xf32> to vector<16xi32>
      %shift_right_logical3A_163 = arith.constant 1 : i32
      %shift_right_logical3A_164 = vector.broadcast %shift_right_logical3A_163 : i32 to vector<16xi32>
      %shift_right_logical3A_165 = arith.shrui %bitcast3A_162, %shift_right_logical3A_164 : vector<16xi32>
      %sub3A_166 = arith.constant 1597463007 : i32
      %sub3A_167 = vector.broadcast %sub3A_166 : i32 to vector<16xi32>
      %sub3A_168 = arith.subi %sub3A_167, %shift_right_logical3A_165 : vector<16xi32>
      %bitcast3A_169 = vector.bitcast %sub3A_168 : vector<16xi32> to vector<16xf32>
      %mul3A_170 = arith.constant 5.000000e-01 : f32
      %mul3A_171 = vector.broadcast %mul3A_170 : f32 to vector<16xf32>
      %mul3A_172 = arith.mulf %mul3A_171, %add3A_161 : vector<16xf32>
      %mul3A_173 = arith.mulf %mul3A_172, %bitcast3A_169 : vector<16xf32>
      %mul3A_174 = arith.mulf %mul3A_173, %bitcast3A_169 : vector<16xf32>
      %sub3A_175 = arith.constant 1.500000e+00 : f32
      %sub3A_176 = vector.broadcast %sub3A_175 : f32 to vector<16xf32>
      %sub3A_177 = arith.subf %sub3A_176, %mul3A_174 : vector<16xf32>
      %mul3A_178 = arith.mulf %bitcast3A_169, %sub3A_177 : vector<16xf32>
      %mul3A_179 = arith.constant 5.000000e-01 : f32
      %mul3A_180 = vector.broadcast %mul3A_179 : f32 to vector<16xf32>
      %mul3A_181 = arith.mulf %mul3A_180, %add3A_161 : vector<16xf32>
      %mul3A_182 = arith.mulf %mul3A_181, %mul3A_178 : vector<16xf32>
      %mul3A_183 = arith.mulf %mul3A_182, %mul3A_178 : vector<16xf32>
      %sub3A_184 = arith.constant 1.500000e+00 : f32
      %sub3A_185 = vector.broadcast %sub3A_184 : f32 to vector<16xf32>
      %sub3A_186 = arith.subf %sub3A_185, %mul3A_183 : vector<16xf32>
      %mul3A_187 = arith.mulf %mul3A_178, %sub3A_186 : vector<16xf32>
      %mul3A_188 = arith.constant 5.000000e-01 : f32
      %mul3A_189 = vector.broadcast %mul3A_188 : f32 to vector<16xf32>
      %mul3A_190 = arith.mulf %mul3A_189, %add3A_161 : vector<16xf32>
      %mul3A_191 = arith.mulf %mul3A_190, %mul3A_187 : vector<16xf32>
      %mul3A_192 = arith.mulf %mul3A_191, %mul3A_187 : vector<16xf32>
      %sub3A_193 = arith.constant 1.500000e+00 : f32
      %sub3A_194 = vector.broadcast %sub3A_193 : f32 to vector<16xf32>
      %sub3A_195 = arith.subf %sub3A_194, %mul3A_192 : vector<16xf32>
      %mul3A_196 = arith.mulf %mul3A_187, %sub3A_195 : vector<16xf32>
      %gt3A_197 = arith.constant 0.000000e+00 : f32
      %gt3A_198 = vector.broadcast %gt3A_197 : f32 to vector<16xf32>
      %gt3A_199 = arith.cmpf ogt, %add3A_161, %gt3A_198 : vector<16xf32>
      %mul3A_200 = arith.mulf %add3A_161, %mul3A_196 : vector<16xf32>
      %jit3A_201 = arith.constant 0.000000e+00 : f32
      %broadcast_in_dim3A_202 = vector.broadcast %jit3A_201 : f32 to vector<16xf32>
      %select_n3A_203 = arith.select %gt3A_199, %mul3A_200, %broadcast_in_dim3A_202 : vector<16xi1>, vector<16xf32>
      %add3A_204 = arith.constant 2 : i32
      %add3A_205 = vector.broadcast %add3A_204 : i32 to vector<16xi32>
      %add3A_206 = arith.addi %add3A_205, %shift_right_logical3A_5 : vector<16xi32>
      %broadcast_in_dim3A_207 = vector.shape_cast %add3A_206 : vector<16xi32> to vector<16x1xi32>
      %gather3A_208 = vector.shape_cast %broadcast_in_dim3A_207 : vector<16x1xi32> to vector<16xi32>
      %gather3A_209 = tpu.dynamic_gather %get3A_44[%gather3A_208] in [0] : vector<16xf32>, vector<16xi32> -> vector<16xf32>
      %select_n3A_210 = arith.select %eq3A_11, %select_n3A_203, %broadcast_in_dim3A_25 : vector<16xi1>, vector<16xf32>
      %add3A_211 = arith.addf %add3A_122, %select_n3A_210 : vector<16xf32>
      %mul3A_212 = arith.mulf %gather3A_209, %add3A_161 : vector<16xf32>
      %select_n3A_213 = arith.select %eq3A_11, %mul3A_212, %broadcast_in_dim3A_25 : vector<16xi1>, vector<16xf32>
      %add3A_214 = arith.addf %add3A_125, %select_n3A_213 : vector<16xf32>
      %mul3A_215 = arith.constant 8 : i32
      %mul3A_216 = arith.muli %mul3A_215, %scan3A_39 : i32
      %add3A_217 = arith.constant 2 : i32
      %add3A_218 = arith.addi %mul3A_216, %add3A_217 : i32
      %mul3A_219 = arith.constant 2 : i32
      %mul3A_220 = arith.muli %mul3A_219, %add3A_218 : i32
      %add3A_221 = vector.broadcast %mul3A_220 : i32 to vector<16xi32>
      %add3A_222 = arith.addi %add3A_221, %shift_right_logical3A_5 : vector<16xi32>
      %gather3A_223 = tpu.vector_load_idx %arg6[%add3A_222, %and3A_7] : memref<3136x8xf32, #tpu.memory_space<vmem>>[vector<16xi32>, vector<16xi32>], vector<16xf32>,
      %gather3A_224 = tpu.vector_load_idx %arg7[%add3A_222, %and3A_7] : memref<3136x8xf32, #tpu.memory_space<vmem>>[vector<16xi32>, vector<16xi32>], vector<16xf32>,
      %add3A_225 = arith.addf %gather3A_223, %gather3A_224 : vector<16xf32>
      %gather3A_226 = tpu.vector_load_idx %arg8[%add3A_222, %and3A_7] : memref<3136x8xf32, #tpu.memory_space<vmem>>[vector<16xi32>, vector<16xi32>], vector<16xf32>,
      %broadcast_in_dim3A_227 = vector.shape_cast %or3A_16 : vector<16xi32> to vector<16x1xi32>
      %gather3A_228 = vector.shape_cast %broadcast_in_dim3A_227 : vector<16x1xi32> to vector<16xi32>
      %gather3A_229 = tpu.dynamic_gather %add3A_225[%gather3A_228] in [0] : vector<16xf32>, vector<16xi32> -> vector<16xf32>
      %max3A_230 = arith.constant 1.000000e+00 : f32
      %max3A_231 = vector.broadcast %max3A_230 : f32 to vector<16xf32>
      %max3A_232 = arith.maximumf %gather3A_229, %max3A_231 : vector<16xf32>
      %div3A_233 = arith.divf %add3A_225, %max3A_232 : vector<16xf32>
      %sub3A_234 = arith.subf %div3A_233, %gather3A_226 : vector<16xf32>
      %jit3A_235 = arith.constant 0.000000e+00 : f32
      %broadcast_in_dim3A_236 = vector.broadcast %jit3A_235 : f32 to vector<16xf32>
      %select_n3A_237 = arith.select %lt3A_9, %sub3A_234, %broadcast_in_dim3A_236 : vector<16xi1>, vector<16xf32>
      %mul3A_238 = arith.mulf %select_n3A_237, %select_n3A_237 : vector<16xf32>
      %broadcast_in_dim3A_239 = vector.shape_cast %xor3A_18 : vector<16xi32> to vector<16x1xi32>
      %gather3A_240 = vector.shape_cast %broadcast_in_dim3A_239 : vector<16x1xi32> to vector<16xi32>
      %gather3A_241 = tpu.dynamic_gather %mul3A_238[%gather3A_240] in [0] : vector<16xf32>, vector<16xi32> -> vector<16xf32>
      %add3A_242 = arith.addf %mul3A_238, %gather3A_241 : vector<16xf32>
      %broadcast_in_dim3A_243 = vector.shape_cast %xor3A_21 : vector<16xi32> to vector<16x1xi32>
      %gather3A_244 = vector.shape_cast %broadcast_in_dim3A_243 : vector<16x1xi32> to vector<16xi32>
      %gather3A_245 = tpu.dynamic_gather %add3A_242[%gather3A_244] in [0] : vector<16xf32>, vector<16xi32> -> vector<16xf32>
      %add3A_246 = arith.addf %add3A_242, %gather3A_245 : vector<16xf32>
      %broadcast_in_dim3A_247 = vector.shape_cast %xor3A_24 : vector<16xi32> to vector<16x1xi32>
      %gather3A_248 = vector.shape_cast %broadcast_in_dim3A_247 : vector<16x1xi32> to vector<16xi32>
      %gather3A_249 = tpu.dynamic_gather %add3A_246[%gather3A_248] in [0] : vector<16xf32>, vector<16xi32> -> vector<16xf32>
      %add3A_250 = arith.addf %add3A_246, %gather3A_249 : vector<16xf32>
      %bitcast3A_251 = vector.bitcast %add3A_250 : vector<16xf32> to vector<16xi32>
      %shift_right_logical3A_252 = arith.constant 1 : i32
      %shift_right_logical3A_253 = vector.broadcast %shift_right_logical3A_252 : i32 to vector<16xi32>
      %shift_right_logical3A_254 = arith.shrui %bitcast3A_251, %shift_right_logical3A_253 : vector<16xi32>
      %sub3A_255 = arith.constant 1597463007 : i32
      %sub3A_256 = vector.broadcast %sub3A_255 : i32 to vector<16xi32>
      %sub3A_257 = arith.subi %sub3A_256, %shift_right_logical3A_254 : vector<16xi32>
      %bitcast3A_258 = vector.bitcast %sub3A_257 : vector<16xi32> to vector<16xf32>
      %mul3A_259 = arith.constant 5.000000e-01 : f32
      %mul3A_260 = vector.broadcast %mul3A_259 : f32 to vector<16xf32>
      %mul3A_261 = arith.mulf %mul3A_260, %add3A_250 : vector<16xf32>
      %mul3A_262 = arith.mulf %mul3A_261, %bitcast3A_258 : vector<16xf32>
      %mul3A_263 = arith.mulf %mul3A_262, %bitcast3A_258 : vector<16xf32>
      %sub3A_264 = arith.constant 1.500000e+00 : f32
      %sub3A_265 = vector.broadcast %sub3A_264 : f32 to vector<16xf32>
      %sub3A_266 = arith.subf %sub3A_265, %mul3A_263 : vector<16xf32>
      %mul3A_267 = arith.mulf %bitcast3A_258, %sub3A_266 : vector<16xf32>
      %mul3A_268 = arith.constant 5.000000e-01 : f32
      %mul3A_269 = vector.broadcast %mul3A_268 : f32 to vector<16xf32>
      %mul3A_270 = arith.mulf %mul3A_269, %add3A_250 : vector<16xf32>
      %mul3A_271 = arith.mulf %mul3A_270, %mul3A_267 : vector<16xf32>
      %mul3A_272 = arith.mulf %mul3A_271, %mul3A_267 : vector<16xf32>
      %sub3A_273 = arith.constant 1.500000e+00 : f32
      %sub3A_274 = vector.broadcast %sub3A_273 : f32 to vector<16xf32>
      %sub3A_275 = arith.subf %sub3A_274, %mul3A_272 : vector<16xf32>
      %mul3A_276 = arith.mulf %mul3A_267, %sub3A_275 : vector<16xf32>
      %mul3A_277 = arith.constant 5.000000e-01 : f32
      %mul3A_278 = vector.broadcast %mul3A_277 : f32 to vector<16xf32>
      %mul3A_279 = arith.mulf %mul3A_278, %add3A_250 : vector<16xf32>
      %mul3A_280 = arith.mulf %mul3A_279, %mul3A_276 : vector<16xf32>
      %mul3A_281 = arith.mulf %mul3A_280, %mul3A_276 : vector<16xf32>
      %sub3A_282 = arith.constant 1.500000e+00 : f32
      %sub3A_283 = vector.broadcast %sub3A_282 : f32 to vector<16xf32>
      %sub3A_284 = arith.subf %sub3A_283, %mul3A_281 : vector<16xf32>
      %mul3A_285 = arith.mulf %mul3A_276, %sub3A_284 : vector<16xf32>
      %gt3A_286 = arith.constant 0.000000e+00 : f32
      %gt3A_287 = vector.broadcast %gt3A_286 : f32 to vector<16xf32>
      %gt3A_288 = arith.cmpf ogt, %add3A_250, %gt3A_287 : vector<16xf32>
      %mul3A_289 = arith.mulf %add3A_250, %mul3A_285 : vector<16xf32>
      %jit3A_290 = arith.constant 0.000000e+00 : f32
      %broadcast_in_dim3A_291 = vector.broadcast %jit3A_290 : f32 to vector<16xf32>
      %select_n3A_292 = arith.select %gt3A_288, %mul3A_289, %broadcast_in_dim3A_291 : vector<16xi1>, vector<16xf32>
      %add3A_293 = arith.constant 4 : i32
      %add3A_294 = vector.broadcast %add3A_293 : i32 to vector<16xi32>
      %add3A_295 = arith.addi %add3A_294, %shift_right_logical3A_5 : vector<16xi32>
      %broadcast_in_dim3A_296 = vector.shape_cast %add3A_295 : vector<16xi32> to vector<16x1xi32>
      %gather3A_297 = vector.shape_cast %broadcast_in_dim3A_296 : vector<16x1xi32> to vector<16xi32>
      %gather3A_298 = tpu.dynamic_gather %get3A_44[%gather3A_297] in [0] : vector<16xf32>, vector<16xi32> -> vector<16xf32>
      %select_n3A_299 = arith.select %eq3A_11, %select_n3A_292, %broadcast_in_dim3A_25 : vector<16xi1>, vector<16xf32>
      %add3A_300 = arith.addf %add3A_211, %select_n3A_299 : vector<16xf32>
      %mul3A_301 = arith.mulf %gather3A_298, %add3A_250 : vector<16xf32>
      %select_n3A_302 = arith.select %eq3A_11, %mul3A_301, %broadcast_in_dim3A_25 : vector<16xi1>, vector<16xf32>
      %add3A_303 = arith.addf %add3A_214, %select_n3A_302 : vector<16xf32>
      %mul3A_304 = arith.constant 8 : i32
      %mul3A_305 = arith.muli %mul3A_304, %scan3A_39 : i32
      %add3A_306 = arith.constant 3 : i32
      %add3A_307 = arith.addi %mul3A_305, %add3A_306 : i32
      %mul3A_308 = arith.constant 2 : i32
      %mul3A_309 = arith.muli %mul3A_308, %add3A_307 : i32
      %add3A_310 = vector.broadcast %mul3A_309 : i32 to vector<16xi32>
      %add3A_311 = arith.addi %add3A_310, %shift_right_logical3A_5 : vector<16xi32>
      %gather3A_312 = tpu.vector_load_idx %arg6[%add3A_311, %and3A_7] : memref<3136x8xf32, #tpu.memory_space<vmem>>[vector<16xi32>, vector<16xi32>], vector<16xf32>,
      %gather3A_313 = tpu.vector_load_idx %arg7[%add3A_311, %and3A_7] : memref<3136x8xf32, #tpu.memory_space<vmem>>[vector<16xi32>, vector<16xi32>], vector<16xf32>,
      %add3A_314 = arith.addf %gather3A_312, %gather3A_313 : vector<16xf32>
      %gather3A_315 = tpu.vector_load_idx %arg8[%add3A_311, %and3A_7] : memref<3136x8xf32, #tpu.memory_space<vmem>>[vector<16xi32>, vector<16xi32>], vector<16xf32>,
      %broadcast_in_dim3A_316 = vector.shape_cast %or3A_16 : vector<16xi32> to vector<16x1xi32>
      %gather3A_317 = vector.shape_cast %broadcast_in_dim3A_316 : vector<16x1xi32> to vector<16xi32>
      %gather3A_318 = tpu.dynamic_gather %add3A_314[%gather3A_317] in [0] : vector<16xf32>, vector<16xi32> -> vector<16xf32>
      %max3A_319 = arith.constant 1.000000e+00 : f32
      %max3A_320 = vector.broadcast %max3A_319 : f32 to vector<16xf32>
      %max3A_321 = arith.maximumf %gather3A_318, %max3A_320 : vector<16xf32>
      %div3A_322 = arith.divf %add3A_314, %max3A_321 : vector<16xf32>
      %sub3A_323 = arith.subf %div3A_322, %gather3A_315 : vector<16xf32>
      %jit3A_324 = arith.constant 0.000000e+00 : f32
      %broadcast_in_dim3A_325 = vector.broadcast %jit3A_324 : f32 to vector<16xf32>
      %select_n3A_326 = arith.select %lt3A_9, %sub3A_323, %broadcast_in_dim3A_325 : vector<16xi1>, vector<16xf32>
      %mul3A_327 = arith.mulf %select_n3A_326, %select_n3A_326 : vector<16xf32>
      %broadcast_in_dim3A_328 = vector.shape_cast %xor3A_18 : vector<16xi32> to vector<16x1xi32>
      %gather3A_329 = vector.shape_cast %broadcast_in_dim3A_328 : vector<16x1xi32> to vector<16xi32>
      %gather3A_330 = tpu.dynamic_gather %mul3A_327[%gather3A_329] in [0] : vector<16xf32>, vector<16xi32> -> vector<16xf32>
      %add3A_331 = arith.addf %mul3A_327, %gather3A_330 : vector<16xf32>
      %broadcast_in_dim3A_332 = vector.shape_cast %xor3A_21 : vector<16xi32> to vector<16x1xi32>
      %gather3A_333 = vector.shape_cast %broadcast_in_dim3A_332 : vector<16x1xi32> to vector<16xi32>
      %gather3A_334 = tpu.dynamic_gather %add3A_331[%gather3A_333] in [0] : vector<16xf32>, vector<16xi32> -> vector<16xf32>
      %add3A_335 = arith.addf %add3A_331, %gather3A_334 : vector<16xf32>
      %broadcast_in_dim3A_336 = vector.shape_cast %xor3A_24 : vector<16xi32> to vector<16x1xi32>
      %gather3A_337 = vector.shape_cast %broadcast_in_dim3A_336 : vector<16x1xi32> to vector<16xi32>
      %gather3A_338 = tpu.dynamic_gather %add3A_335[%gather3A_337] in [0] : vector<16xf32>, vector<16xi32> -> vector<16xf32>
      %add3A_339 = arith.addf %add3A_335, %gather3A_338 : vector<16xf32>
      %bitcast3A_340 = vector.bitcast %add3A_339 : vector<16xf32> to vector<16xi32>
      %shift_right_logical3A_341 = arith.constant 1 : i32
      %shift_right_logical3A_342 = vector.broadcast %shift_right_logical3A_341 : i32 to vector<16xi32>
      %shift_right_logical3A_343 = arith.shrui %bitcast3A_340, %shift_right_logical3A_342 : vector<16xi32>
      %sub3A_344 = arith.constant 1597463007 : i32
      %sub3A_345 = vector.broadcast %sub3A_344 : i32 to vector<16xi32>
      %sub3A_346 = arith.subi %sub3A_345, %shift_right_logical3A_343 : vector<16xi32>
      %bitcast3A_347 = vector.bitcast %sub3A_346 : vector<16xi32> to vector<16xf32>
      %mul3A_348 = arith.constant 5.000000e-01 : f32
      %mul3A_349 = vector.broadcast %mul3A_348 : f32 to vector<16xf32>
      %mul3A_350 = arith.mulf %mul3A_349, %add3A_339 : vector<16xf32>
      %mul3A_351 = arith.mulf %mul3A_350, %bitcast3A_347 : vector<16xf32>
      %mul3A_352 = arith.mulf %mul3A_351, %bitcast3A_347 : vector<16xf32>
      %sub3A_353 = arith.constant 1.500000e+00 : f32
      %sub3A_354 = vector.broadcast %sub3A_353 : f32 to vector<16xf32>
      %sub3A_355 = arith.subf %sub3A_354, %mul3A_352 : vector<16xf32>
      %mul3A_356 = arith.mulf %bitcast3A_347, %sub3A_355 : vector<16xf32>
      %mul3A_357 = arith.constant 5.000000e-01 : f32
      %mul3A_358 = vector.broadcast %mul3A_357 : f32 to vector<16xf32>
      %mul3A_359 = arith.mulf %mul3A_358, %add3A_339 : vector<16xf32>
      %mul3A_360 = arith.mulf %mul3A_359, %mul3A_356 : vector<16xf32>
      %mul3A_361 = arith.mulf %mul3A_360, %mul3A_356 : vector<16xf32>
      %sub3A_362 = arith.constant 1.500000e+00 : f32
      %sub3A_363 = vector.broadcast %sub3A_362 : f32 to vector<16xf32>
      %sub3A_364 = arith.subf %sub3A_363, %mul3A_361 : vector<16xf32>
      %mul3A_365 = arith.mulf %mul3A_356, %sub3A_364 : vector<16xf32>
      %mul3A_366 = arith.constant 5.000000e-01 : f32
      %mul3A_367 = vector.broadcast %mul3A_366 : f32 to vector<16xf32>
      %mul3A_368 = arith.mulf %mul3A_367, %add3A_339 : vector<16xf32>
      %mul3A_369 = arith.mulf %mul3A_368, %mul3A_365 : vector<16xf32>
      %mul3A_370 = arith.mulf %mul3A_369, %mul3A_365 : vector<16xf32>
      %sub3A_371 = arith.constant 1.500000e+00 : f32
      %sub3A_372 = vector.broadcast %sub3A_371 : f32 to vector<16xf32>
      %sub3A_373 = arith.subf %sub3A_372, %mul3A_370 : vector<16xf32>
      %mul3A_374 = arith.mulf %mul3A_365, %sub3A_373 : vector<16xf32>
      %gt3A_375 = arith.constant 0.000000e+00 : f32
      %gt3A_376 = vector.broadcast %gt3A_375 : f32 to vector<16xf32>
      %gt3A_377 = arith.cmpf ogt, %add3A_339, %gt3A_376 : vector<16xf32>
      %mul3A_378 = arith.mulf %add3A_339, %mul3A_374 : vector<16xf32>
      %jit3A_379 = arith.constant 0.000000e+00 : f32
      %broadcast_in_dim3A_380 = vector.broadcast %jit3A_379 : f32 to vector<16xf32>
      %select_n3A_381 = arith.select %gt3A_377, %mul3A_378, %broadcast_in_dim3A_380 : vector<16xi1>, vector<16xf32>
      %add3A_382 = arith.constant 6 : i32
      %add3A_383 = vector.broadcast %add3A_382 : i32 to vector<16xi32>
      %add3A_384 = arith.addi %add3A_383, %shift_right_logical3A_5 : vector<16xi32>
      %broadcast_in_dim3A_385 = vector.shape_cast %add3A_384 : vector<16xi32> to vector<16x1xi32>
      %gather3A_386 = vector.shape_cast %broadcast_in_dim3A_385 : vector<16x1xi32> to vector<16xi32>
      %gather3A_387 = tpu.dynamic_gather %get3A_44[%gather3A_386] in [0] : vector<16xf32>, vector<16xi32> -> vector<16xf32>
      %select_n3A_388 = arith.select %eq3A_11, %select_n3A_381, %broadcast_in_dim3A_25 : vector<16xi1>, vector<16xf32>
      %add3A_389 = arith.addf %add3A_300, %select_n3A_388 : vector<16xf32>
      %mul3A_390 = arith.mulf %gather3A_387, %add3A_339 : vector<16xf32>
      %select_n3A_391 = arith.select %eq3A_11, %mul3A_390, %broadcast_in_dim3A_25 : vector<16xi1>, vector<16xf32>
      %add3A_392 = arith.addf %add3A_303, %select_n3A_391 : vector<16xf32>
      %mul3A_393 = arith.constant 8 : i32
      %mul3A_394 = arith.muli %mul3A_393, %scan3A_39 : i32
      %add3A_395 = arith.constant 4 : i32
      %add3A_396 = arith.addi %mul3A_394, %add3A_395 : i32
      %mul3A_397 = arith.constant 2 : i32
      %mul3A_398 = arith.muli %mul3A_397, %add3A_396 : i32
      %add3A_399 = vector.broadcast %mul3A_398 : i32 to vector<16xi32>
      %add3A_400 = arith.addi %add3A_399, %shift_right_logical3A_5 : vector<16xi32>
      %gather3A_401 = tpu.vector_load_idx %arg6[%add3A_400, %and3A_7] : memref<3136x8xf32, #tpu.memory_space<vmem>>[vector<16xi32>, vector<16xi32>], vector<16xf32>,
      %gather3A_402 = tpu.vector_load_idx %arg7[%add3A_400, %and3A_7] : memref<3136x8xf32, #tpu.memory_space<vmem>>[vector<16xi32>, vector<16xi32>], vector<16xf32>,
      %add3A_403 = arith.addf %gather3A_401, %gather3A_402 : vector<16xf32>
      %gather3A_404 = tpu.vector_load_idx %arg8[%add3A_400, %and3A_7] : memref<3136x8xf32, #tpu.memory_space<vmem>>[vector<16xi32>, vector<16xi32>], vector<16xf32>,
      %broadcast_in_dim3A_405 = vector.shape_cast %or3A_16 : vector<16xi32> to vector<16x1xi32>
      %gather3A_406 = vector.shape_cast %broadcast_in_dim3A_405 : vector<16x1xi32> to vector<16xi32>
      %gather3A_407 = tpu.dynamic_gather %add3A_403[%gather3A_406] in [0] : vector<16xf32>, vector<16xi32> -> vector<16xf32>
      %max3A_408 = arith.constant 1.000000e+00 : f32
      %max3A_409 = vector.broadcast %max3A_408 : f32 to vector<16xf32>
      %max3A_410 = arith.maximumf %gather3A_407, %max3A_409 : vector<16xf32>
      %div3A_411 = arith.divf %add3A_403, %max3A_410 : vector<16xf32>
      %sub3A_412 = arith.subf %div3A_411, %gather3A_404 : vector<16xf32>
      %jit3A_413 = arith.constant 0.000000e+00 : f32
      %broadcast_in_dim3A_414 = vector.broadcast %jit3A_413 : f32 to vector<16xf32>
      %select_n3A_415 = arith.select %lt3A_9, %sub3A_412, %broadcast_in_dim3A_414 : vector<16xi1>, vector<16xf32>
      %mul3A_416 = arith.mulf %select_n3A_415, %select_n3A_415 : vector<16xf32>
      %broadcast_in_dim3A_417 = vector.shape_cast %xor3A_18 : vector<16xi32> to vector<16x1xi32>
      %gather3A_418 = vector.shape_cast %broadcast_in_dim3A_417 : vector<16x1xi32> to vector<16xi32>
      %gather3A_419 = tpu.dynamic_gather %mul3A_416[%gather3A_418] in [0] : vector<16xf32>, vector<16xi32> -> vector<16xf32>
      %add3A_420 = arith.addf %mul3A_416, %gather3A_419 : vector<16xf32>
      %broadcast_in_dim3A_421 = vector.shape_cast %xor3A_21 : vector<16xi32> to vector<16x1xi32>
      %gather3A_422 = vector.shape_cast %broadcast_in_dim3A_421 : vector<16x1xi32> to vector<16xi32>
      %gather3A_423 = tpu.dynamic_gather %add3A_420[%gather3A_422] in [0] : vector<16xf32>, vector<16xi32> -> vector<16xf32>
      %add3A_424 = arith.addf %add3A_420, %gather3A_423 : vector<16xf32>
      %broadcast_in_dim3A_425 = vector.shape_cast %xor3A_24 : vector<16xi32> to vector<16x1xi32>
      %gather3A_426 = vector.shape_cast %broadcast_in_dim3A_425 : vector<16x1xi32> to vector<16xi32>
      %gather3A_427 = tpu.dynamic_gather %add3A_424[%gather3A_426] in [0] : vector<16xf32>, vector<16xi32> -> vector<16xf32>
      %add3A_428 = arith.addf %add3A_424, %gather3A_427 : vector<16xf32>
      %bitcast3A_429 = vector.bitcast %add3A_428 : vector<16xf32> to vector<16xi32>
      %shift_right_logical3A_430 = arith.constant 1 : i32
      %shift_right_logical3A_431 = vector.broadcast %shift_right_logical3A_430 : i32 to vector<16xi32>
      %shift_right_logical3A_432 = arith.shrui %bitcast3A_429, %shift_right_logical3A_431 : vector<16xi32>
      %sub3A_433 = arith.constant 1597463007 : i32
      %sub3A_434 = vector.broadcast %sub3A_433 : i32 to vector<16xi32>
      %sub3A_435 = arith.subi %sub3A_434, %shift_right_logical3A_432 : vector<16xi32>
      %bitcast3A_436 = vector.bitcast %sub3A_435 : vector<16xi32> to vector<16xf32>
      %mul3A_437 = arith.constant 5.000000e-01 : f32
      %mul3A_438 = vector.broadcast %mul3A_437 : f32 to vector<16xf32>
      %mul3A_439 = arith.mulf %mul3A_438, %add3A_428 : vector<16xf32>
      %mul3A_440 = arith.mulf %mul3A_439, %bitcast3A_436 : vector<16xf32>
      %mul3A_441 = arith.mulf %mul3A_440, %bitcast3A_436 : vector<16xf32>
      %sub3A_442 = arith.constant 1.500000e+00 : f32
      %sub3A_443 = vector.broadcast %sub3A_442 : f32 to vector<16xf32>
      %sub3A_444 = arith.subf %sub3A_443, %mul3A_441 : vector<16xf32>
      %mul3A_445 = arith.mulf %bitcast3A_436, %sub3A_444 : vector<16xf32>
      %mul3A_446 = arith.constant 5.000000e-01 : f32
      %mul3A_447 = vector.broadcast %mul3A_446 : f32 to vector<16xf32>
      %mul3A_448 = arith.mulf %mul3A_447, %add3A_428 : vector<16xf32>
      %mul3A_449 = arith.mulf %mul3A_448, %mul3A_445 : vector<16xf32>
      %mul3A_450 = arith.mulf %mul3A_449, %mul3A_445 : vector<16xf32>
      %sub3A_451 = arith.constant 1.500000e+00 : f32
      %sub3A_452 = vector.broadcast %sub3A_451 : f32 to vector<16xf32>
      %sub3A_453 = arith.subf %sub3A_452, %mul3A_450 : vector<16xf32>
      %mul3A_454 = arith.mulf %mul3A_445, %sub3A_453 : vector<16xf32>
      %mul3A_455 = arith.constant 5.000000e-01 : f32
      %mul3A_456 = vector.broadcast %mul3A_455 : f32 to vector<16xf32>
      %mul3A_457 = arith.mulf %mul3A_456, %add3A_428 : vector<16xf32>
      %mul3A_458 = arith.mulf %mul3A_457, %mul3A_454 : vector<16xf32>
      %mul3A_459 = arith.mulf %mul3A_458, %mul3A_454 : vector<16xf32>
      %sub3A_460 = arith.constant 1.500000e+00 : f32
      %sub3A_461 = vector.broadcast %sub3A_460 : f32 to vector<16xf32>
      %sub3A_462 = arith.subf %sub3A_461, %mul3A_459 : vector<16xf32>
      %mul3A_463 = arith.mulf %mul3A_454, %sub3A_462 : vector<16xf32>
      %gt3A_464 = arith.constant 0.000000e+00 : f32
      %gt3A_465 = vector.broadcast %gt3A_464 : f32 to vector<16xf32>
      %gt3A_466 = arith.cmpf ogt, %add3A_428, %gt3A_465 : vector<16xf32>
      %mul3A_467 = arith.mulf %add3A_428, %mul3A_463 : vector<16xf32>
      %jit3A_468 = arith.constant 0.000000e+00 : f32
      %broadcast_in_dim3A_469 = vector.broadcast %jit3A_468 : f32 to vector<16xf32>
      %select_n3A_470 = arith.select %gt3A_466, %mul3A_467, %broadcast_in_dim3A_469 : vector<16xi1>, vector<16xf32>
      %add3A_471 = arith.constant 8 : i32
      %add3A_472 = vector.broadcast %add3A_471 : i32 to vector<16xi32>
      %add3A_473 = arith.addi %add3A_472, %shift_right_logical3A_5 : vector<16xi32>
      %broadcast_in_dim3A_474 = vector.shape_cast %add3A_473 : vector<16xi32> to vector<16x1xi32>
      %gather3A_475 = vector.shape_cast %broadcast_in_dim3A_474 : vector<16x1xi32> to vector<16xi32>
      %gather3A_476 = tpu.dynamic_gather %get3A_44[%gather3A_475] in [0] : vector<16xf32>, vector<16xi32> -> vector<16xf32>
      %select_n3A_477 = arith.select %eq3A_11, %select_n3A_470, %broadcast_in_dim3A_25 : vector<16xi1>, vector<16xf32>
      %add3A_478 = arith.addf %add3A_389, %select_n3A_477 : vector<16xf32>
      %mul3A_479 = arith.mulf %gather3A_476, %add3A_428 : vector<16xf32>
      %select_n3A_480 = arith.select %eq3A_11, %mul3A_479, %broadcast_in_dim3A_25 : vector<16xi1>, vector<16xf32>
      %add3A_481 = arith.addf %add3A_392, %select_n3A_480 : vector<16xf32>
      %mul3A_482 = arith.constant 8 : i32
      %mul3A_483 = arith.muli %mul3A_482, %scan3A_39 : i32
      %add3A_484 = arith.constant 5 : i32
      %add3A_485 = arith.addi %mul3A_483, %add3A_484 : i32
      %mul3A_486 = arith.constant 2 : i32
      %mul3A_487 = arith.muli %mul3A_486, %add3A_485 : i32
      %add3A_488 = vector.broadcast %mul3A_487 : i32 to vector<16xi32>
      %add3A_489 = arith.addi %add3A_488, %shift_right_logical3A_5 : vector<16xi32>
      %gather3A_490 = tpu.vector_load_idx %arg6[%add3A_489, %and3A_7] : memref<3136x8xf32, #tpu.memory_space<vmem>>[vector<16xi32>, vector<16xi32>], vector<16xf32>,
      %gather3A_491 = tpu.vector_load_idx %arg7[%add3A_489, %and3A_7] : memref<3136x8xf32, #tpu.memory_space<vmem>>[vector<16xi32>, vector<16xi32>], vector<16xf32>,
      %add3A_492 = arith.addf %gather3A_490, %gather3A_491 : vector<16xf32>
      %gather3A_493 = tpu.vector_load_idx %arg8[%add3A_489, %and3A_7] : memref<3136x8xf32, #tpu.memory_space<vmem>>[vector<16xi32>, vector<16xi32>], vector<16xf32>,
      %broadcast_in_dim3A_494 = vector.shape_cast %or3A_16 : vector<16xi32> to vector<16x1xi32>
      %gather3A_495 = vector.shape_cast %broadcast_in_dim3A_494 : vector<16x1xi32> to vector<16xi32>
      %gather3A_496 = tpu.dynamic_gather %add3A_492[%gather3A_495] in [0] : vector<16xf32>, vector<16xi32> -> vector<16xf32>
      %max3A_497 = arith.constant 1.000000e+00 : f32
      %max3A_498 = vector.broadcast %max3A_497 : f32 to vector<16xf32>
      %max3A_499 = arith.maximumf %gather3A_496, %max3A_498 : vector<16xf32>
      %div3A_500 = arith.divf %add3A_492, %max3A_499 : vector<16xf32>
      %sub3A_501 = arith.subf %div3A_500, %gather3A_493 : vector<16xf32>
      %jit3A_502 = arith.constant 0.000000e+00 : f32
      %broadcast_in_dim3A_503 = vector.broadcast %jit3A_502 : f32 to vector<16xf32>
      %select_n3A_504 = arith.select %lt3A_9, %sub3A_501, %broadcast_in_dim3A_503 : vector<16xi1>, vector<16xf32>
      %mul3A_505 = arith.mulf %select_n3A_504, %select_n3A_504 : vector<16xf32>
      %broadcast_in_dim3A_506 = vector.shape_cast %xor3A_18 : vector<16xi32> to vector<16x1xi32>
      %gather3A_507 = vector.shape_cast %broadcast_in_dim3A_506 : vector<16x1xi32> to vector<16xi32>
      %gather3A_508 = tpu.dynamic_gather %mul3A_505[%gather3A_507] in [0] : vector<16xf32>, vector<16xi32> -> vector<16xf32>
      %add3A_509 = arith.addf %mul3A_505, %gather3A_508 : vector<16xf32>
      %broadcast_in_dim3A_510 = vector.shape_cast %xor3A_21 : vector<16xi32> to vector<16x1xi32>
      %gather3A_511 = vector.shape_cast %broadcast_in_dim3A_510 : vector<16x1xi32> to vector<16xi32>
      %gather3A_512 = tpu.dynamic_gather %add3A_509[%gather3A_511] in [0] : vector<16xf32>, vector<16xi32> -> vector<16xf32>
      %add3A_513 = arith.addf %add3A_509, %gather3A_512 : vector<16xf32>
      %broadcast_in_dim3A_514 = vector.shape_cast %xor3A_24 : vector<16xi32> to vector<16x1xi32>
      %gather3A_515 = vector.shape_cast %broadcast_in_dim3A_514 : vector<16x1xi32> to vector<16xi32>
      %gather3A_516 = tpu.dynamic_gather %add3A_513[%gather3A_515] in [0] : vector<16xf32>, vector<16xi32> -> vector<16xf32>
      %add3A_517 = arith.addf %add3A_513, %gather3A_516 : vector<16xf32>
      %bitcast3A_518 = vector.bitcast %add3A_517 : vector<16xf32> to vector<16xi32>
      %shift_right_logical3A_519 = arith.constant 1 : i32
      %shift_right_logical3A_520 = vector.broadcast %shift_right_logical3A_519 : i32 to vector<16xi32>
      %shift_right_logical3A_521 = arith.shrui %bitcast3A_518, %shift_right_logical3A_520 : vector<16xi32>
      %sub3A_522 = arith.constant 1597463007 : i32
      %sub3A_523 = vector.broadcast %sub3A_522 : i32 to vector<16xi32>
      %sub3A_524 = arith.subi %sub3A_523, %shift_right_logical3A_521 : vector<16xi32>
      %bitcast3A_525 = vector.bitcast %sub3A_524 : vector<16xi32> to vector<16xf32>
      %mul3A_526 = arith.constant 5.000000e-01 : f32
      %mul3A_527 = vector.broadcast %mul3A_526 : f32 to vector<16xf32>
      %mul3A_528 = arith.mulf %mul3A_527, %add3A_517 : vector<16xf32>
      %mul3A_529 = arith.mulf %mul3A_528, %bitcast3A_525 : vector<16xf32>
      %mul3A_530 = arith.mulf %mul3A_529, %bitcast3A_525 : vector<16xf32>
      %sub3A_531 = arith.constant 1.500000e+00 : f32
      %sub3A_532 = vector.broadcast %sub3A_531 : f32 to vector<16xf32>
      %sub3A_533 = arith.subf %sub3A_532, %mul3A_530 : vector<16xf32>
      %mul3A_534 = arith.mulf %bitcast3A_525, %sub3A_533 : vector<16xf32>
      %mul3A_535 = arith.constant 5.000000e-01 : f32
      %mul3A_536 = vector.broadcast %mul3A_535 : f32 to vector<16xf32>
      %mul3A_537 = arith.mulf %mul3A_536, %add3A_517 : vector<16xf32>
      %mul3A_538 = arith.mulf %mul3A_537, %mul3A_534 : vector<16xf32>
      %mul3A_539 = arith.mulf %mul3A_538, %mul3A_534 : vector<16xf32>
      %sub3A_540 = arith.constant 1.500000e+00 : f32
      %sub3A_541 = vector.broadcast %sub3A_540 : f32 to vector<16xf32>
      %sub3A_542 = arith.subf %sub3A_541, %mul3A_539 : vector<16xf32>
      %mul3A_543 = arith.mulf %mul3A_534, %sub3A_542 : vector<16xf32>
      %mul3A_544 = arith.constant 5.000000e-01 : f32
      %mul3A_545 = vector.broadcast %mul3A_544 : f32 to vector<16xf32>
      %mul3A_546 = arith.mulf %mul3A_545, %add3A_517 : vector<16xf32>
      %mul3A_547 = arith.mulf %mul3A_546, %mul3A_543 : vector<16xf32>
      %mul3A_548 = arith.mulf %mul3A_547, %mul3A_543 : vector<16xf32>
      %sub3A_549 = arith.constant 1.500000e+00 : f32
      %sub3A_550 = vector.broadcast %sub3A_549 : f32 to vector<16xf32>
      %sub3A_551 = arith.subf %sub3A_550, %mul3A_548 : vector<16xf32>
      %mul3A_552 = arith.mulf %mul3A_543, %sub3A_551 : vector<16xf32>
      %gt3A_553 = arith.constant 0.000000e+00 : f32
      %gt3A_554 = vector.broadcast %gt3A_553 : f32 to vector<16xf32>
      %gt3A_555 = arith.cmpf ogt, %add3A_517, %gt3A_554 : vector<16xf32>
      %mul3A_556 = arith.mulf %add3A_517, %mul3A_552 : vector<16xf32>
      %jit3A_557 = arith.constant 0.000000e+00 : f32
      %broadcast_in_dim3A_558 = vector.broadcast %jit3A_557 : f32 to vector<16xf32>
      %select_n3A_559 = arith.select %gt3A_555, %mul3A_556, %broadcast_in_dim3A_558 : vector<16xi1>, vector<16xf32>
      %add3A_560 = arith.constant 10 : i32
      %add3A_561 = vector.broadcast %add3A_560 : i32 to vector<16xi32>
      %add3A_562 = arith.addi %add3A_561, %shift_right_logical3A_5 : vector<16xi32>
      %broadcast_in_dim3A_563 = vector.shape_cast %add3A_562 : vector<16xi32> to vector<16x1xi32>
      %gather3A_564 = vector.shape_cast %broadcast_in_dim3A_563 : vector<16x1xi32> to vector<16xi32>
      %gather3A_565 = tpu.dynamic_gather %get3A_44[%gather3A_564] in [0] : vector<16xf32>, vector<16xi32> -> vector<16xf32>
      %select_n3A_566 = arith.select %eq3A_11, %select_n3A_559, %broadcast_in_dim3A_25 : vector<16xi1>, vector<16xf32>
      %add3A_567 = arith.addf %add3A_478, %select_n3A_566 : vector<16xf32>
      %mul3A_568 = arith.mulf %gather3A_565, %add3A_517 : vector<16xf32>
      %select_n3A_569 = arith.select %eq3A_11, %mul3A_568, %broadcast_in_dim3A_25 : vector<16xi1>, vector<16xf32>
      %add3A_570 = arith.addf %add3A_481, %select_n3A_569 : vector<16xf32>
      %mul3A_571 = arith.constant 8 : i32
      %mul3A_572 = arith.muli %mul3A_571, %scan3A_39 : i32
      %add3A_573 = arith.constant 6 : i32
      %add3A_574 = arith.addi %mul3A_572, %add3A_573 : i32
      %mul3A_575 = arith.constant 2 : i32
      %mul3A_576 = arith.muli %mul3A_575, %add3A_574 : i32
      %add3A_577 = vector.broadcast %mul3A_576 : i32 to vector<16xi32>
      %add3A_578 = arith.addi %add3A_577, %shift_right_logical3A_5 : vector<16xi32>
      %gather3A_579 = tpu.vector_load_idx %arg6[%add3A_578, %and3A_7] : memref<3136x8xf32, #tpu.memory_space<vmem>>[vector<16xi32>, vector<16xi32>], vector<16xf32>,
      %gather3A_580 = tpu.vector_load_idx %arg7[%add3A_578, %and3A_7] : memref<3136x8xf32, #tpu.memory_space<vmem>>[vector<16xi32>, vector<16xi32>], vector<16xf32>,
      %add3A_581 = arith.addf %gather3A_579, %gather3A_580 : vector<16xf32>
      %gather3A_582 = tpu.vector_load_idx %arg8[%add3A_578, %and3A_7] : memref<3136x8xf32, #tpu.memory_space<vmem>>[vector<16xi32>, vector<16xi32>], vector<16xf32>,
      %broadcast_in_dim3A_583 = vector.shape_cast %or3A_16 : vector<16xi32> to vector<16x1xi32>
      %gather3A_584 = vector.shape_cast %broadcast_in_dim3A_583 : vector<16x1xi32> to vector<16xi32>
      %gather3A_585 = tpu.dynamic_gather %add3A_581[%gather3A_584] in [0] : vector<16xf32>, vector<16xi32> -> vector<16xf32>
      %max3A_586 = arith.constant 1.000000e+00 : f32
      %max3A_587 = vector.broadcast %max3A_586 : f32 to vector<16xf32>
      %max3A_588 = arith.maximumf %gather3A_585, %max3A_587 : vector<16xf32>
      %div3A_589 = arith.divf %add3A_581, %max3A_588 : vector<16xf32>
      %sub3A_590 = arith.subf %div3A_589, %gather3A_582 : vector<16xf32>
      %jit3A_591 = arith.constant 0.000000e+00 : f32
      %broadcast_in_dim3A_592 = vector.broadcast %jit3A_591 : f32 to vector<16xf32>
      %select_n3A_593 = arith.select %lt3A_9, %sub3A_590, %broadcast_in_dim3A_592 : vector<16xi1>, vector<16xf32>
      %mul3A_594 = arith.mulf %select_n3A_593, %select_n3A_593 : vector<16xf32>
      %broadcast_in_dim3A_595 = vector.shape_cast %xor3A_18 : vector<16xi32> to vector<16x1xi32>
      %gather3A_596 = vector.shape_cast %broadcast_in_dim3A_595 : vector<16x1xi32> to vector<16xi32>
      %gather3A_597 = tpu.dynamic_gather %mul3A_594[%gather3A_596] in [0] : vector<16xf32>, vector<16xi32> -> vector<16xf32>
      %add3A_598 = arith.addf %mul3A_594, %gather3A_597 : vector<16xf32>
      %broadcast_in_dim3A_599 = vector.shape_cast %xor3A_21 : vector<16xi32> to vector<16x1xi32>
      %gather3A_600 = vector.shape_cast %broadcast_in_dim3A_599 : vector<16x1xi32> to vector<16xi32>
      %gather3A_601 = tpu.dynamic_gather %add3A_598[%gather3A_600] in [0] : vector<16xf32>, vector<16xi32> -> vector<16xf32>
      %add3A_602 = arith.addf %add3A_598, %gather3A_601 : vector<16xf32>
      %broadcast_in_dim3A_603 = vector.shape_cast %xor3A_24 : vector<16xi32> to vector<16x1xi32>
      %gather3A_604 = vector.shape_cast %broadcast_in_dim3A_603 : vector<16x1xi32> to vector<16xi32>
      %gather3A_605 = tpu.dynamic_gather %add3A_602[%gather3A_604] in [0] : vector<16xf32>, vector<16xi32> -> vector<16xf32>
      %add3A_606 = arith.addf %add3A_602, %gather3A_605 : vector<16xf32>
      %bitcast3A_607 = vector.bitcast %add3A_606 : vector<16xf32> to vector<16xi32>
      %shift_right_logical3A_608 = arith.constant 1 : i32
      %shift_right_logical3A_609 = vector.broadcast %shift_right_logical3A_608 : i32 to vector<16xi32>
      %shift_right_logical3A_610 = arith.shrui %bitcast3A_607, %shift_right_logical3A_609 : vector<16xi32>
      %sub3A_611 = arith.constant 1597463007 : i32
      %sub3A_612 = vector.broadcast %sub3A_611 : i32 to vector<16xi32>
      %sub3A_613 = arith.subi %sub3A_612, %shift_right_logical3A_610 : vector<16xi32>
      %bitcast3A_614 = vector.bitcast %sub3A_613 : vector<16xi32> to vector<16xf32>
      %mul3A_615 = arith.constant 5.000000e-01 : f32
      %mul3A_616 = vector.broadcast %mul3A_615 : f32 to vector<16xf32>
      %mul3A_617 = arith.mulf %mul3A_616, %add3A_606 : vector<16xf32>
      %mul3A_618 = arith.mulf %mul3A_617, %bitcast3A_614 : vector<16xf32>
      %mul3A_619 = arith.mulf %mul3A_618, %bitcast3A_614 : vector<16xf32>
      %sub3A_620 = arith.constant 1.500000e+00 : f32
      %sub3A_621 = vector.broadcast %sub3A_620 : f32 to vector<16xf32>
      %sub3A_622 = arith.subf %sub3A_621, %mul3A_619 : vector<16xf32>
      %mul3A_623 = arith.mulf %bitcast3A_614, %sub3A_622 : vector<16xf32>
      %mul3A_624 = arith.constant 5.000000e-01 : f32
      %mul3A_625 = vector.broadcast %mul3A_624 : f32 to vector<16xf32>
      %mul3A_626 = arith.mulf %mul3A_625, %add3A_606 : vector<16xf32>
      %mul3A_627 = arith.mulf %mul3A_626, %mul3A_623 : vector<16xf32>
      %mul3A_628 = arith.mulf %mul3A_627, %mul3A_623 : vector<16xf32>
      %sub3A_629 = arith.constant 1.500000e+00 : f32
      %sub3A_630 = vector.broadcast %sub3A_629 : f32 to vector<16xf32>
      %sub3A_631 = arith.subf %sub3A_630, %mul3A_628 : vector<16xf32>
      %mul3A_632 = arith.mulf %mul3A_623, %sub3A_631 : vector<16xf32>
      %mul3A_633 = arith.constant 5.000000e-01 : f32
      %mul3A_634 = vector.broadcast %mul3A_633 : f32 to vector<16xf32>
      %mul3A_635 = arith.mulf %mul3A_634, %add3A_606 : vector<16xf32>
      %mul3A_636 = arith.mulf %mul3A_635, %mul3A_632 : vector<16xf32>
      %mul3A_637 = arith.mulf %mul3A_636, %mul3A_632 : vector<16xf32>
      %sub3A_638 = arith.constant 1.500000e+00 : f32
      %sub3A_639 = vector.broadcast %sub3A_638 : f32 to vector<16xf32>
      %sub3A_640 = arith.subf %sub3A_639, %mul3A_637 : vector<16xf32>
      %mul3A_641 = arith.mulf %mul3A_632, %sub3A_640 : vector<16xf32>
      %gt3A_642 = arith.constant 0.000000e+00 : f32
      %gt3A_643 = vector.broadcast %gt3A_642 : f32 to vector<16xf32>
      %gt3A_644 = arith.cmpf ogt, %add3A_606, %gt3A_643 : vector<16xf32>
      %mul3A_645 = arith.mulf %add3A_606, %mul3A_641 : vector<16xf32>
      %jit3A_646 = arith.constant 0.000000e+00 : f32
      %broadcast_in_dim3A_647 = vector.broadcast %jit3A_646 : f32 to vector<16xf32>
      %select_n3A_648 = arith.select %gt3A_644, %mul3A_645, %broadcast_in_dim3A_647 : vector<16xi1>, vector<16xf32>
      %add3A_649 = arith.constant 12 : i32
      %add3A_650 = vector.broadcast %add3A_649 : i32 to vector<16xi32>
      %add3A_651 = arith.addi %add3A_650, %shift_right_logical3A_5 : vector<16xi32>
      %broadcast_in_dim3A_652 = vector.shape_cast %add3A_651 : vector<16xi32> to vector<16x1xi32>
      %gather3A_653 = vector.shape_cast %broadcast_in_dim3A_652 : vector<16x1xi32> to vector<16xi32>
      %gather3A_654 = tpu.dynamic_gather %get3A_44[%gather3A_653] in [0] : vector<16xf32>, vector<16xi32> -> vector<16xf32>
      %select_n3A_655 = arith.select %eq3A_11, %select_n3A_648, %broadcast_in_dim3A_25 : vector<16xi1>, vector<16xf32>
      %add3A_656 = arith.addf %add3A_567, %select_n3A_655 : vector<16xf32>
      %mul3A_657 = arith.mulf %gather3A_654, %add3A_606 : vector<16xf32>
      %select_n3A_658 = arith.select %eq3A_11, %mul3A_657, %broadcast_in_dim3A_25 : vector<16xi1>, vector<16xf32>
      %add3A_659 = arith.addf %add3A_570, %select_n3A_658 : vector<16xf32>
      %mul3A_660 = arith.constant 8 : i32
      %mul3A_661 = arith.muli %mul3A_660, %scan3A_39 : i32
      %add3A_662 = arith.constant 7 : i32
      %add3A_663 = arith.addi %mul3A_661, %add3A_662 : i32
      %mul3A_664 = arith.constant 2 : i32
      %mul3A_665 = arith.muli %mul3A_664, %add3A_663 : i32
      %add3A_666 = vector.broadcast %mul3A_665 : i32 to vector<16xi32>
      %add3A_667 = arith.addi %add3A_666, %shift_right_logical3A_5 : vector<16xi32>
      %gather3A_668 = tpu.vector_load_idx %arg6[%add3A_667, %and3A_7] : memref<3136x8xf32, #tpu.memory_space<vmem>>[vector<16xi32>, vector<16xi32>], vector<16xf32>,
      %gather3A_669 = tpu.vector_load_idx %arg7[%add3A_667, %and3A_7] : memref<3136x8xf32, #tpu.memory_space<vmem>>[vector<16xi32>, vector<16xi32>], vector<16xf32>,
      %add3A_670 = arith.addf %gather3A_668, %gather3A_669 : vector<16xf32>
      %gather3A_671 = tpu.vector_load_idx %arg8[%add3A_667, %and3A_7] : memref<3136x8xf32, #tpu.memory_space<vmem>>[vector<16xi32>, vector<16xi32>], vector<16xf32>,
      %broadcast_in_dim3A_672 = vector.shape_cast %or3A_16 : vector<16xi32> to vector<16x1xi32>
      %gather3A_673 = vector.shape_cast %broadcast_in_dim3A_672 : vector<16x1xi32> to vector<16xi32>
      %gather3A_674 = tpu.dynamic_gather %add3A_670[%gather3A_673] in [0] : vector<16xf32>, vector<16xi32> -> vector<16xf32>
      %max3A_675 = arith.constant 1.000000e+00 : f32
      %max3A_676 = vector.broadcast %max3A_675 : f32 to vector<16xf32>
      %max3A_677 = arith.maximumf %gather3A_674, %max3A_676 : vector<16xf32>
      %div3A_678 = arith.divf %add3A_670, %max3A_677 : vector<16xf32>
      %sub3A_679 = arith.subf %div3A_678, %gather3A_671 : vector<16xf32>
      %jit3A_680 = arith.constant 0.000000e+00 : f32
      %broadcast_in_dim3A_681 = vector.broadcast %jit3A_680 : f32 to vector<16xf32>
      %select_n3A_682 = arith.select %lt3A_9, %sub3A_679, %broadcast_in_dim3A_681 : vector<16xi1>, vector<16xf32>
      %mul3A_683 = arith.mulf %select_n3A_682, %select_n3A_682 : vector<16xf32>
      %broadcast_in_dim3A_684 = vector.shape_cast %xor3A_18 : vector<16xi32> to vector<16x1xi32>
      %gather3A_685 = vector.shape_cast %broadcast_in_dim3A_684 : vector<16x1xi32> to vector<16xi32>
      %gather3A_686 = tpu.dynamic_gather %mul3A_683[%gather3A_685] in [0] : vector<16xf32>, vector<16xi32> -> vector<16xf32>
      %add3A_687 = arith.addf %mul3A_683, %gather3A_686 : vector<16xf32>
      %broadcast_in_dim3A_688 = vector.shape_cast %xor3A_21 : vector<16xi32> to vector<16x1xi32>
      %gather3A_689 = vector.shape_cast %broadcast_in_dim3A_688 : vector<16x1xi32> to vector<16xi32>
      %gather3A_690 = tpu.dynamic_gather %add3A_687[%gather3A_689] in [0] : vector<16xf32>, vector<16xi32> -> vector<16xf32>
      %add3A_691 = arith.addf %add3A_687, %gather3A_690 : vector<16xf32>
      %broadcast_in_dim3A_692 = vector.shape_cast %xor3A_24 : vector<16xi32> to vector<16x1xi32>
      %gather3A_693 = vector.shape_cast %broadcast_in_dim3A_692 : vector<16x1xi32> to vector<16xi32>
      %gather3A_694 = tpu.dynamic_gather %add3A_691[%gather3A_693] in [0] : vector<16xf32>, vector<16xi32> -> vector<16xf32>
      %add3A_695 = arith.addf %add3A_691, %gather3A_694 : vector<16xf32>
      %bitcast3A_696 = vector.bitcast %add3A_695 : vector<16xf32> to vector<16xi32>
      %shift_right_logical3A_697 = arith.constant 1 : i32
      %shift_right_logical3A_698 = vector.broadcast %shift_right_logical3A_697 : i32 to vector<16xi32>
      %shift_right_logical3A_699 = arith.shrui %bitcast3A_696, %shift_right_logical3A_698 : vector<16xi32>
      %sub3A_700 = arith.constant 1597463007 : i32
      %sub3A_701 = vector.broadcast %sub3A_700 : i32 to vector<16xi32>
      %sub3A_702 = arith.subi %sub3A_701, %shift_right_logical3A_699 : vector<16xi32>
      %bitcast3A_703 = vector.bitcast %sub3A_702 : vector<16xi32> to vector<16xf32>
      %mul3A_704 = arith.constant 5.000000e-01 : f32
      %mul3A_705 = vector.broadcast %mul3A_704 : f32 to vector<16xf32>
      %mul3A_706 = arith.mulf %mul3A_705, %add3A_695 : vector<16xf32>
      %mul3A_707 = arith.mulf %mul3A_706, %bitcast3A_703 : vector<16xf32>
      %mul3A_708 = arith.mulf %mul3A_707, %bitcast3A_703 : vector<16xf32>
      %sub3A_709 = arith.constant 1.500000e+00 : f32
      %sub3A_710 = vector.broadcast %sub3A_709 : f32 to vector<16xf32>
      %sub3A_711 = arith.subf %sub3A_710, %mul3A_708 : vector<16xf32>
      %mul3A_712 = arith.mulf %bitcast3A_703, %sub3A_711 : vector<16xf32>
      %mul3A_713 = arith.constant 5.000000e-01 : f32
      %mul3A_714 = vector.broadcast %mul3A_713 : f32 to vector<16xf32>
      %mul3A_715 = arith.mulf %mul3A_714, %add3A_695 : vector<16xf32>
      %mul3A_716 = arith.mulf %mul3A_715, %mul3A_712 : vector<16xf32>
      %mul3A_717 = arith.mulf %mul3A_716, %mul3A_712 : vector<16xf32>
      %sub3A_718 = arith.constant 1.500000e+00 : f32
      %sub3A_719 = vector.broadcast %sub3A_718 : f32 to vector<16xf32>
      %sub3A_720 = arith.subf %sub3A_719, %mul3A_717 : vector<16xf32>
      %mul3A_721 = arith.mulf %mul3A_712, %sub3A_720 : vector<16xf32>
      %mul3A_722 = arith.constant 5.000000e-01 : f32
      %mul3A_723 = vector.broadcast %mul3A_722 : f32 to vector<16xf32>
      %mul3A_724 = arith.mulf %mul3A_723, %add3A_695 : vector<16xf32>
      %mul3A_725 = arith.mulf %mul3A_724, %mul3A_721 : vector<16xf32>
      %mul3A_726 = arith.mulf %mul3A_725, %mul3A_721 : vector<16xf32>
      %sub3A_727 = arith.constant 1.500000e+00 : f32
      %sub3A_728 = vector.broadcast %sub3A_727 : f32 to vector<16xf32>
      %sub3A_729 = arith.subf %sub3A_728, %mul3A_726 : vector<16xf32>
      %mul3A_730 = arith.mulf %mul3A_721, %sub3A_729 : vector<16xf32>
      %gt3A_731 = arith.constant 0.000000e+00 : f32
      %gt3A_732 = vector.broadcast %gt3A_731 : f32 to vector<16xf32>
      %gt3A_733 = arith.cmpf ogt, %add3A_695, %gt3A_732 : vector<16xf32>
      %mul3A_734 = arith.mulf %add3A_695, %mul3A_730 : vector<16xf32>
      %jit3A_735 = arith.constant 0.000000e+00 : f32
      %broadcast_in_dim3A_736 = vector.broadcast %jit3A_735 : f32 to vector<16xf32>
      %select_n3A_737 = arith.select %gt3A_733, %mul3A_734, %broadcast_in_dim3A_736 : vector<16xi1>, vector<16xf32>
      %add3A_738 = arith.constant 14 : i32
      %add3A_739 = vector.broadcast %add3A_738 : i32 to vector<16xi32>
      %add3A_740 = arith.addi %add3A_739, %shift_right_logical3A_5 : vector<16xi32>
      %broadcast_in_dim3A_741 = vector.shape_cast %add3A_740 : vector<16xi32> to vector<16x1xi32>
      %gather3A_742 = vector.shape_cast %broadcast_in_dim3A_741 : vector<16x1xi32> to vector<16xi32>
      %gather3A_743 = tpu.dynamic_gather %get3A_44[%gather3A_742] in [0] : vector<16xf32>, vector<16xi32> -> vector<16xf32>
      %select_n3A_744 = arith.select %eq3A_11, %select_n3A_737, %broadcast_in_dim3A_25 : vector<16xi1>, vector<16xf32>
      %add3A_745 = arith.addf %add3A_656, %select_n3A_744 : vector<16xf32>
      %mul3A_746 = arith.mulf %gather3A_743, %add3A_695 : vector<16xf32>
      %select_n3A_747 = arith.select %eq3A_11, %mul3A_746, %broadcast_in_dim3A_25 : vector<16xi1>, vector<16xf32>
      %add3A_748 = arith.addf %add3A_659, %select_n3A_747 : vector<16xf32>
      scf.yield %add3A_745, %add3A_748 : vector<16xf32>, vector<16xf32>
    }
    %scan3A_30 = arith.constant 196 : i32
    %swap3A = arith.constant 0 : index
    %swap3A_31 = tpu.vector_load %arg10[%swap3A] {strides = array<i32>} : memref<32xf32, #tpu.memory_space<vmem>>, vector<16xf32>,
    tpu.vector_store %arg10[%swap3A], %scan3A_29#0 {strides = array<i32>} : memref<32xf32, #tpu.memory_space<vmem>>, vector<16xf32>,
    %swap3A_32 = arith.constant 16 : index
    %swap3A_33 = tpu.vector_load %arg10[%swap3A_32] {strides = array<i32>} : memref<32xf32, #tpu.memory_space<vmem>>, vector<16xf32>,
    tpu.vector_store %arg10[%swap3A_32], %scan3A_29#1 {strides = array<i32>} : memref<32xf32, #tpu.memory_space<vmem>>, vector<16xf32>,
    %mul3A_34 = arith.constant 32 : i32
    %mul3A_35 = arith.muli %arg1, %mul3A_34 : i32
    "tpu.region"() ({
      %run_scoped3A_39 = tpu.sem_alloc : memref<!tpu.dma_semaphore, #tpu.memory_space<semaphore_mem>>
      %dma_start3A = tpu.memref_slice %arg13[%mul3A_35] : memref<512xf32, #tpu.memory_space<vmem_shared>> -> memref<32xf32, #tpu.memory_space<vmem_shared>>
      %dma_start3A_40 = tpu.memref_slice %arg13[%mul3A_35] : memref<512xf32, #tpu.memory_space<vmem_shared>> -> memref<32xf32, #tpu.memory_space<vmem_shared>>
      tpu.enqueue_dma source(%arg10 : memref<32xf32, #tpu.memory_space<vmem>>) target(%dma_start3A_40 : memref<32xf32, #tpu.memory_space<vmem_shared>>) target_semaphore(%run_scoped3A_39 : memref<!tpu.dma_semaphore, #tpu.memory_space<semaphore_mem>>)
      %dma_wait3A = tpu.memref_slice %arg13[%mul3A_35] : memref<512xf32, #tpu.memory_space<vmem_shared>> -> memref<32xf32, #tpu.memory_space<vmem_shared>>
      %dma_wait3A_41 = tpu.memref_slice %arg13[%mul3A_35] : memref<512xf32, #tpu.memory_space<vmem_shared>> -> memref<32xf32, #tpu.memory_space<vmem_shared>>
      tpu.wait_dma2 semaphore(%run_scoped3A_39 : memref<!tpu.dma_semaphore, #tpu.memory_space<semaphore_mem>>) src(%arg10 : memref<32xf32, #tpu.memory_space<vmem>>) dst(%dma_wait3A_41 : memref<32xf32, #tpu.memory_space<vmem_shared>>)
      tpu.yield
    }) : () -> ()
    %barrier3A = arith.constant 0 : index
    tpu.barrier barrier_id(%barrier3A)
    %eq3A_36 = arith.constant 0 : i32
    %eq3A_37 = arith.cmpi eq, %arg1, %eq3A_36 : i32
    %convert_element_type3A = arith.extui %eq3A_37 : i1 to i32
    %cond3A = arith.constant 0 : i32
    %cond3A_38 = arith.cmpi ne, %convert_element_type3A, %cond3A : i32
    scf.if %cond3A_38 {
      "tpu.region"() ({
        %run_scoped3A_146 = tpu.sem_alloc : memref<!tpu.dma_semaphore, #tpu.memory_space<semaphore_mem>>
        tpu.enqueue_dma source(%arg13 : memref<512xf32, #tpu.memory_space<vmem_shared>>) target(%arg11 : memref<512xf32, #tpu.memory_space<vmem>>) target_semaphore(%run_scoped3A_146 : memref<!tpu.dma_semaphore, #tpu.memory_space<semaphore_mem>>)
        tpu.wait_dma2 semaphore(%run_scoped3A_146 : memref<!tpu.dma_semaphore, #tpu.memory_space<semaphore_mem>>) src(%arg13 : memref<512xf32, #tpu.memory_space<vmem_shared>>) dst(%arg11 : memref<512xf32, #tpu.memory_space<vmem>>)
        tpu.yield
      }) : () -> ()
      %get3A = arith.constant 0 : index
      %get3A_39 = tpu.vector_load %arg11[%get3A] {strides = array<i32>} : memref<512xf32, #tpu.memory_space<vmem>>, vector<16xf32>,
      %add3A_40 = arith.addf %broadcast_in_dim3A_25, %get3A_39 : vector<16xf32>
      %get3A_41 = arith.constant 16 : index
      %get3A_42 = tpu.vector_load %arg11[%get3A_41] {strides = array<i32>} : memref<512xf32, #tpu.memory_space<vmem>>, vector<16xf32>,
      %add3A_43 = arith.addf %broadcast_in_dim3A_25, %get3A_42 : vector<16xf32>
      %get3A_44 = arith.constant 32 : index
      %get3A_45 = tpu.vector_load %arg11[%get3A_44] {strides = array<i32>} : memref<512xf32, #tpu.memory_space<vmem>>, vector<16xf32>,
      %add3A_46 = arith.addf %add3A_40, %get3A_45 : vector<16xf32>
      %get3A_47 = arith.constant 48 : index
      %get3A_48 = tpu.vector_load %arg11[%get3A_47] {strides = array<i32>} : memref<512xf32, #tpu.memory_space<vmem>>, vector<16xf32>,
      %add3A_49 = arith.addf %add3A_43, %get3A_48 : vector<16xf32>
      %get3A_50 = arith.constant 64 : index
      %get3A_51 = tpu.vector_load %arg11[%get3A_50] {strides = array<i32>} : memref<512xf32, #tpu.memory_space<vmem>>, vector<16xf32>,
      %add3A_52 = arith.addf %add3A_46, %get3A_51 : vector<16xf32>
      %get3A_53 = arith.constant 80 : index
      %get3A_54 = tpu.vector_load %arg11[%get3A_53] {strides = array<i32>} : memref<512xf32, #tpu.memory_space<vmem>>, vector<16xf32>,
      %add3A_55 = arith.addf %add3A_49, %get3A_54 : vector<16xf32>
      %get3A_56 = arith.constant 96 : index
      %get3A_57 = tpu.vector_load %arg11[%get3A_56] {strides = array<i32>} : memref<512xf32, #tpu.memory_space<vmem>>, vector<16xf32>,
      %add3A_58 = arith.addf %add3A_52, %get3A_57 : vector<16xf32>
      %get3A_59 = arith.constant 112 : index
      %get3A_60 = tpu.vector_load %arg11[%get3A_59] {strides = array<i32>} : memref<512xf32, #tpu.memory_space<vmem>>, vector<16xf32>,
      %add3A_61 = arith.addf %add3A_55, %get3A_60 : vector<16xf32>
      %get3A_62 = arith.constant 128 : index
      %get3A_63 = tpu.vector_load %arg11[%get3A_62] {strides = array<i32>} : memref<512xf32, #tpu.memory_space<vmem>>, vector<16xf32>,
      %add3A_64 = arith.addf %add3A_58, %get3A_63 : vector<16xf32>
      %get3A_65 = arith.constant 144 : index
      %get3A_66 = tpu.vector_load %arg11[%get3A_65] {strides = array<i32>} : memref<512xf32, #tpu.memory_space<vmem>>, vector<16xf32>,
      %add3A_67 = arith.addf %add3A_61, %get3A_66 : vector<16xf32>
      %get3A_68 = arith.constant 160 : index
      %get3A_69 = tpu.vector_load %arg11[%get3A_68] {strides = array<i32>} : memref<512xf32, #tpu.memory_space<vmem>>, vector<16xf32>,
      %add3A_70 = arith.addf %add3A_64, %get3A_69 : vector<16xf32>
      %get3A_71 = arith.constant 176 : index
      %get3A_72 = tpu.vector_load %arg11[%get3A_71] {strides = array<i32>} : memref<512xf32, #tpu.memory_space<vmem>>, vector<16xf32>,
      %add3A_73 = arith.addf %add3A_67, %get3A_72 : vector<16xf32>
      %get3A_74 = arith.constant 192 : index
      %get3A_75 = tpu.vector_load %arg11[%get3A_74] {strides = array<i32>} : memref<512xf32, #tpu.memory_space<vmem>>, vector<16xf32>,
      %add3A_76 = arith.addf %add3A_70, %get3A_75 : vector<16xf32>
      %get3A_77 = arith.constant 208 : index
      %get3A_78 = tpu.vector_load %arg11[%get3A_77] {strides = array<i32>} : memref<512xf32, #tpu.memory_space<vmem>>, vector<16xf32>,
      %add3A_79 = arith.addf %add3A_73, %get3A_78 : vector<16xf32>
      %get3A_80 = arith.constant 224 : index
      %get3A_81 = tpu.vector_load %arg11[%get3A_80] {strides = array<i32>} : memref<512xf32, #tpu.memory_space<vmem>>, vector<16xf32>,
      %add3A_82 = arith.addf %add3A_76, %get3A_81 : vector<16xf32>
      %get3A_83 = arith.constant 240 : index
      %get3A_84 = tpu.vector_load %arg11[%get3A_83] {strides = array<i32>} : memref<512xf32, #tpu.memory_space<vmem>>, vector<16xf32>,
      %add3A_85 = arith.addf %add3A_79, %get3A_84 : vector<16xf32>
      %get3A_86 = arith.constant 256 : index
      %get3A_87 = tpu.vector_load %arg11[%get3A_86] {strides = array<i32>} : memref<512xf32, #tpu.memory_space<vmem>>, vector<16xf32>,
      %add3A_88 = arith.addf %add3A_82, %get3A_87 : vector<16xf32>
      %get3A_89 = arith.constant 272 : index
      %get3A_90 = tpu.vector_load %arg11[%get3A_89] {strides = array<i32>} : memref<512xf32, #tpu.memory_space<vmem>>, vector<16xf32>,
      %add3A_91 = arith.addf %add3A_85, %get3A_90 : vector<16xf32>
      %get3A_92 = arith.constant 288 : index
      %get3A_93 = tpu.vector_load %arg11[%get3A_92] {strides = array<i32>} : memref<512xf32, #tpu.memory_space<vmem>>, vector<16xf32>,
      %add3A_94 = arith.addf %add3A_88, %get3A_93 : vector<16xf32>
      %get3A_95 = arith.constant 304 : index
      %get3A_96 = tpu.vector_load %arg11[%get3A_95] {strides = array<i32>} : memref<512xf32, #tpu.memory_space<vmem>>, vector<16xf32>,
      %add3A_97 = arith.addf %add3A_91, %get3A_96 : vector<16xf32>
      %get3A_98 = arith.constant 320 : index
      %get3A_99 = tpu.vector_load %arg11[%get3A_98] {strides = array<i32>} : memref<512xf32, #tpu.memory_space<vmem>>, vector<16xf32>,
      %add3A_100 = arith.addf %add3A_94, %get3A_99 : vector<16xf32>
      %get3A_101 = arith.constant 336 : index
      %get3A_102 = tpu.vector_load %arg11[%get3A_101] {strides = array<i32>} : memref<512xf32, #tpu.memory_space<vmem>>, vector<16xf32>,
      %add3A_103 = arith.addf %add3A_97, %get3A_102 : vector<16xf32>
      %get3A_104 = arith.constant 352 : index
      %get3A_105 = tpu.vector_load %arg11[%get3A_104] {strides = array<i32>} : memref<512xf32, #tpu.memory_space<vmem>>, vector<16xf32>,
      %add3A_106 = arith.addf %add3A_100, %get3A_105 : vector<16xf32>
      %get3A_107 = arith.constant 368 : index
      %get3A_108 = tpu.vector_load %arg11[%get3A_107] {strides = array<i32>} : memref<512xf32, #tpu.memory_space<vmem>>, vector<16xf32>,
      %add3A_109 = arith.addf %add3A_103, %get3A_108 : vector<16xf32>
      %get3A_110 = arith.constant 384 : index
      %get3A_111 = tpu.vector_load %arg11[%get3A_110] {strides = array<i32>} : memref<512xf32, #tpu.memory_space<vmem>>, vector<16xf32>,
      %add3A_112 = arith.addf %add3A_106, %get3A_111 : vector<16xf32>
      %get3A_113 = arith.constant 400 : index
      %get3A_114 = tpu.vector_load %arg11[%get3A_113] {strides = array<i32>} : memref<512xf32, #tpu.memory_space<vmem>>, vector<16xf32>,
      %add3A_115 = arith.addf %add3A_109, %get3A_114 : vector<16xf32>
      %get3A_116 = arith.constant 416 : index
      %get3A_117 = tpu.vector_load %arg11[%get3A_116] {strides = array<i32>} : memref<512xf32, #tpu.memory_space<vmem>>, vector<16xf32>,
      %add3A_118 = arith.addf %add3A_112, %get3A_117 : vector<16xf32>
      %get3A_119 = arith.constant 432 : index
      %get3A_120 = tpu.vector_load %arg11[%get3A_119] {strides = array<i32>} : memref<512xf32, #tpu.memory_space<vmem>>, vector<16xf32>,
      %add3A_121 = arith.addf %add3A_115, %get3A_120 : vector<16xf32>
      %get3A_122 = arith.constant 448 : index
      %get3A_123 = tpu.vector_load %arg11[%get3A_122] {strides = array<i32>} : memref<512xf32, #tpu.memory_space<vmem>>, vector<16xf32>,
      %add3A_124 = arith.addf %add3A_118, %get3A_123 : vector<16xf32>
      %get3A_125 = arith.constant 464 : index
      %get3A_126 = tpu.vector_load %arg11[%get3A_125] {strides = array<i32>} : memref<512xf32, #tpu.memory_space<vmem>>, vector<16xf32>,
      %add3A_127 = arith.addf %add3A_121, %get3A_126 : vector<16xf32>
      %get3A_128 = arith.constant 480 : index
      %get3A_129 = tpu.vector_load %arg11[%get3A_128] {strides = array<i32>} : memref<512xf32, #tpu.memory_space<vmem>>, vector<16xf32>,
      %add3A_130 = arith.addf %add3A_124, %get3A_129 : vector<16xf32>
      %get3A_131 = arith.constant 496 : index
      %get3A_132 = tpu.vector_load %arg11[%get3A_131] {strides = array<i32>} : memref<512xf32, #tpu.memory_space<vmem>>, vector<16xf32>,
      %add3A_133 = arith.addf %add3A_127, %get3A_132 : vector<16xf32>
      %mul3A_134 = arith.constant 9.99999974E-6 : f32
      %mul3A_135 = vector.broadcast %mul3A_134 : f32 to vector<16xf32>
      %mul3A_136 = arith.mulf %add3A_130, %mul3A_135 : vector<16xf32>
      %swap3A_137 = arith.constant 0 : index
      %swap3A_138 = tpu.vector_load %arg12[%swap3A_137] {strides = array<i32>} : memref<32xf32, #tpu.memory_space<vmem>>, vector<16xf32>,
      tpu.vector_store %arg12[%swap3A_137], %mul3A_136 {strides = array<i32>} : memref<32xf32, #tpu.memory_space<vmem>>, vector<16xf32>,
      %mul3A_139 = arith.constant 9.99999974E-6 : f32
      %mul3A_140 = vector.broadcast %mul3A_139 : f32 to vector<16xf32>
      %mul3A_141 = arith.mulf %add3A_133, %mul3A_140 : vector<16xf32>
      %swap3A_142 = arith.constant 16 : index
      %swap3A_143 = tpu.vector_load %arg12[%swap3A_142] {strides = array<i32>} : memref<32xf32, #tpu.memory_space<vmem>>, vector<16xf32>,
      tpu.vector_store %arg12[%swap3A_142], %mul3A_141 {strides = array<i32>} : memref<32xf32, #tpu.memory_space<vmem>>, vector<16xf32>,
      %mul3A_144 = arith.constant 32 : i32
      %mul3A_145 = arith.muli %arg0, %mul3A_144 : i32
      "tpu.region"() ({
        %run_scoped3A_146 = tpu.sem_alloc : memref<!tpu.dma_semaphore, #tpu.memory_space<semaphore_mem>>
        %dma_start3A = tpu.memref_slice %arg5[%mul3A_145] : memref<64xf32, #tpu.memory_space<hbm>> -> memref<32xf32, #tpu.memory_space<hbm>>
        %dma_start3A_147 = tpu.memref_slice %arg5[%mul3A_145] : memref<64xf32, #tpu.memory_space<hbm>> -> memref<32xf32, #tpu.memory_space<hbm>>
        tpu.enqueue_dma source(%arg12 : memref<32xf32, #tpu.memory_space<vmem>>) target(%dma_start3A_147 : memref<32xf32, #tpu.memory_space<hbm>>) target_semaphore(%run_scoped3A_146 : memref<!tpu.dma_semaphore, #tpu.memory_space<semaphore_mem>>)
        %dma_wait3A = tpu.memref_slice %arg5[%mul3A_145] : memref<64xf32, #tpu.memory_space<hbm>> -> memref<32xf32, #tpu.memory_space<hbm>>
        %dma_wait3A_148 = tpu.memref_slice %arg5[%mul3A_145] : memref<64xf32, #tpu.memory_space<hbm>> -> memref<32xf32, #tpu.memory_space<hbm>>
        tpu.wait_dma2 semaphore(%run_scoped3A_146 : memref<!tpu.dma_semaphore, #tpu.memory_space<semaphore_mem>>) src(%arg12 : memref<32xf32, #tpu.memory_space<vmem>>) dst(%dma_wait3A_148 : memref<32xf32, #tpu.memory_space<hbm>>)
        tpu.yield
      }) : () -> ()
    } else {
    }
    return
  }
}

module attributes {stable_mosaic.version = 14 : i64} {
  func.func @_copy_body(%arg0: i32, %arg1: memref<1x1xf32, #tpu.memory_space<vmem>>, %arg2: memref<1x1xi32, #tpu.memory_space<vmem>>, %arg3: memref<3x2048xf32, #tpu.memory_space<vmem>>, %arg4: memref<3x4096xi32, #tpu.memory_space<vmem>>, %arg5: memref<4x3x2048xf32, #tpu.memory_space<vmem>>, %arg6: memref<4x3x4096xi32, #tpu.memory_space<vmem>>) attributes {dimension_semantics = [#tpu.dimension_semantics<arbitrary>], iteration_bounds = array<i64: 49>, scalar_prefetch = 0 : i64, scratch_operands = 0 : i64, tpu.core_type = #tpu.core_type<tc>, window_params = [{pipeline_mode = #tpu.pipeline_mode<synchronous>, transform_indices = @transform_0, window_bounds = array<i64: 1, 1>}, {pipeline_mode = #tpu.pipeline_mode<synchronous>, transform_indices = @transform_1, window_bounds = array<i64: 1, 1>}, {transform_indices = @transform_2, window_bounds = array<i64: 3, 2048>}, {transform_indices = @transform_3, window_bounds = array<i64: 3, 4096>}, {transform_indices = @transform_4, window_bounds = array<i64: 4, 3, 2048>}, {transform_indices = @transform_5, window_bounds = array<i64: 4, 3, 4096>}]} {
    %get3A = arith.constant 0 : index
    %get3A_0 = arith.constant 0 : index
    %get3A_1 = vector.load %arg3[%get3A, %get3A_0] : memref<3x2048xf32, #tpu.memory_space<vmem>>, vector<3x2048xf32>
    %get3A_2 = arith.constant 0 : index
    %get3A_3 = arith.constant 0 : index
    %get3A_4 = vector.load %arg1[%get3A_2, %get3A_3] : memref<1x1xf32, #tpu.memory_space<vmem>>, vector<1x1xf32>
    %get3A_5 = vector.extract %get3A_4[0, 0] : f32 from vector<1x1xf32>
    %add3A = vector.broadcast %get3A_5 : f32 to vector<3x2048xf32>
    %add3A_6 = arith.addf %get3A_1, %add3A : vector<3x2048xf32>
    %get3A_7 = arith.constant 0 : index
    %get3A_8 = arith.constant 0 : index
    %get3A_9 = vector.load %arg4[%get3A_7, %get3A_8] : memref<3x4096xi32, #tpu.memory_space<vmem>>, vector<3x4096xi32>
    %get3A_10 = arith.constant 0 : index
    %get3A_11 = arith.constant 0 : index
    %get3A_12 = vector.load %arg2[%get3A_10, %get3A_11] : memref<1x1xi32, #tpu.memory_space<vmem>>, vector<1x1xi32>
    %get3A_13 = vector.extract %get3A_12[0, 0] : i32 from vector<1x1xi32>
    %add3A_14 = vector.broadcast %get3A_13 : i32 to vector<3x4096xi32>
    %add3A_15 = arith.addi %get3A_9, %add3A_14 : vector<3x4096xi32>
    %broadcast_in_dim3A = vector.shape_cast %add3A_6 : vector<3x2048xf32> to vector<1x3x2048xf32>
    %broadcast_in_dim3A_16 = vector.shape_cast %broadcast_in_dim3A : vector<1x3x2048xf32> to vector<1x3x2048xf32>
    %broadcast_in_dim3A_17 = vector.broadcast %broadcast_in_dim3A_16 : vector<1x3x2048xf32> to vector<4x3x2048xf32>
    %swap3A = arith.constant 0 : index
    %swap3A_18 = arith.constant 0 : index
    %swap3A_19 = arith.constant 0 : index
    %swap3A_20 = vector.load %arg5[%swap3A, %swap3A_18, %swap3A_19] : memref<4x3x2048xf32, #tpu.memory_space<vmem>>, vector<4x3x2048xf32>
    tpu.vector_store %arg5[%swap3A, %swap3A_18, %swap3A_19], %broadcast_in_dim3A_17 {strides = array<i32>} : memref<4x3x2048xf32, #tpu.memory_space<vmem>>, vector<4x3x2048xf32>,
    %broadcast_in_dim3A_21 = vector.shape_cast %add3A_15 : vector<3x4096xi32> to vector<1x3x4096xi32>
    %broadcast_in_dim3A_22 = vector.shape_cast %broadcast_in_dim3A_21 : vector<1x3x4096xi32> to vector<1x3x4096xi32>
    %broadcast_in_dim3A_23 = vector.broadcast %broadcast_in_dim3A_22 : vector<1x3x4096xi32> to vector<4x3x4096xi32>
    %swap3A_24 = arith.constant 0 : index
    %swap3A_25 = arith.constant 0 : index
    %swap3A_26 = arith.constant 0 : index
    %swap3A_27 = vector.load %arg6[%swap3A_24, %swap3A_25, %swap3A_26] : memref<4x3x4096xi32, #tpu.memory_space<vmem>>, vector<4x3x4096xi32>
    tpu.vector_store %arg6[%swap3A_24, %swap3A_25, %swap3A_26], %broadcast_in_dim3A_23 {strides = array<i32>} : memref<4x3x4096xi32, #tpu.memory_space<vmem>>, vector<4x3x4096xi32>,
    return
  }
  func.func @transform_0(%arg0: i32) -> (i32, i32) {
    %c0_i32 = arith.constant 0 : i32
    %c0_i32_0 = arith.constant 0 : i32
    %c0_i32_1 = arith.constant 0 : i32
    return %c0_i32, %c0_i32_0 : i32, i32
  }
  func.func @transform_1(%arg0: i32) -> (i32, i32) {
    %c0_i32 = arith.constant 0 : i32
    %c0_i32_0 = arith.constant 0 : i32
    %c0_i32_1 = arith.constant 0 : i32
    return %c0_i32, %c0_i32_0 : i32, i32
  }
  func.func @transform_2(%arg0: i32) -> (i32, i32) {
    %c0_i32 = arith.constant 0 : i32
    %c0_i32_0 = arith.constant 0 : i32
    return %c0_i32, %arg0 : i32, i32
  }
  func.func @transform_3(%arg0: i32) -> (i32, i32) {
    %c0_i32 = arith.constant 0 : i32
    %c0_i32_0 = arith.constant 0 : i32
    return %c0_i32, %arg0 : i32, i32
  }
  func.func @transform_4(%arg0: i32) -> (i32, i32, i32) {
    %c0_i32 = arith.constant 0 : i32
    %c0_i32_0 = arith.constant 0 : i32
    %c0_i32_1 = arith.constant 0 : i32
    return %c0_i32, %c0_i32_0, %arg0 : i32, i32, i32
  }
  func.func @transform_5(%arg0: i32) -> (i32, i32, i32) {
    %c0_i32 = arith.constant 0 : i32
    %c0_i32_0 = arith.constant 0 : i32
    %c0_i32_1 = arith.constant 0 : i32
    return %c0_i32, %c0_i32_0, %arg0 : i32, i32, i32
  }
}

</mosaic_0001>

<sc_bundles>
// kernel: kernel.5.cloned.1.call-start
scs
__scs_entry_jumppad:
0x0: {  	(pc) =	sbr.rel $0x88, $3  }
0x1: {  	(tag) =	ssettag $0x0;
	lr =	simm.s32 $0x1  }
0x2: {  	[smem:$0x3F9D] =	sst lr;
	_ =	strace $0xD0000000  }
0x3: {  	_ = 	snop  }
0x4: {  	_ = 	snop  }
0x5: {  	_ = 	snop  }
0x6: {  	_ = 	snop  }
0x7: {  	_ = 	snop  }
__scs_overlays_trampoline_lowered:
0x8: {  	[smem:$0x3FAC] =	sst s0  }
0x9: {  	[smem:$0x3FAD] =	sst s1  }
0xa: {  	[smem:$0x3FAE] =	sst s2  }
0xb: {  	[smem:$0x3FAF] =	sst s3  }
0xc: {  	[smem:$0x3FB0] =	sst s4  }
0xd: {  	[smem:$0x3FB1] =	sst s5  }
0xe: {  	[smem:$0x3FB2] =	sst s6  }
0xf: {  	[smem:$0x3FB3] =	sst s7  }
0x10: {  	[smem:$0x3FB4] =	sst s8  }
0x11: {  	[smem:$0x3FB5] =	sst s9;
	s0 =	simm.s32 @!p0 $0x0  }
0x12: {  	s1 =	sld [smem:$0x3F9B];
	s0 =	simm.s32 @p0 $0x1  }
0x13: {  	[smem:$0x3FB6] =	sst s0;
	s0 =	simm.s32 @!p1 $0x0  }
0x14: {  	s2 =	sld [smem:$0x3F9A];
	s0 =	simm.s32 @p1 $0x1  }
0x15: {  	[smem:$0x3FB7] =	sst s0;
	s0 =	simm.s32 @!p2 $0x0  }
0x16: {  	s3 =	sld [smem:$0x3FDB];
	s0 =	simm.s32 @p2 $0x1  }
0x17: {  	s4 =	simm.s32 $0x1BF5;
	[smem:$0x3FB9] =	sst s0  }
0x18: {  	s0 =	sld [smem:$0x3F9C];
	_ =	swait.ge [sflag:s4], $0x0  }
0x19: {  	s7 =	sld [smem:$0x3F9D]  }
0x1a: {  	s8 =	sadd.s32 $0xFFFFE003, lr  }
0x1b: {  	s9 =	sadd.s32 $0xFFFFFEF7, lr;
	s5 =	simm.s32 $0xFFFFFFFF;
	p2 =	slt.u32 s8, $0xFFFFF086  }
0x1c: {  	p1 =	slt.u32 s9, $0xF7A;
	s5 =	simm.s32 @!p2 $0x0  }
0x1d: {  	s5 =	simm.s32 @p1 $0x1;
	p0 =	seq.s32 s7, s2  }
0x1e: {  	s7 =	smul.u32 @!p0 $0xF7A, s2;
	p2 =	seq.s32 @!p0 s5, $0x0  }
0x1f: {  	s9 =	smul.u32 $0xF7A, s1;
	s8 =	simm.s32 @!p0 $0x1BF5;
	p2 =	por !p2, p0  }
0x20: {  	[sflag:s8] =	ssyncset.s32 @!p0 $0xFFFFF086;
	s6 =	sadd.s32 @!p0 s3, s7;
	s7 =	simm.s32 @!p0 $0x108  }
0x21: {  	s3 =	sadd.s32 s3, s9;
	s6 =	sadd.s32 @!p0 $0x88, s6;
	s7 =	simm.s32 @p2 $0x1082  }
0x22: {  	[simem:s7], [sflag:s8] =	dma.local @!p0 [hbm:s6], $0xF7A  }
0x23: {  	s9 =	sor.u32 $0xD0000000, s2;
	s6 =	simm.s32 $0x108;
	_ =	swait.ge @!p0 [sflag:s8], $0x0  }
0x24: {  	s3 =	sadd.s32 $0x88, s3;
	s6 =	simm.s32 @!p1 $0x1082;
	[sflag:s4] =	ssyncset.s32 $0xFFFFF086  }
0x25: {  	[simem:s6], [sflag:s4] =	dma.local [hbm:s3], $0xF7A  }
0x26: {  	[smem:$0x3F9D] =	sst s1;
	(tag) =	ssettag s2;
	_ =	strace s9  }
0x27: {  	s1 =	sld [smem:$0x3FAD]  }
0x28: {  	s2 =	sld [smem:$0x3FAE]  }
0x29: {  	s4 =	sld [smem:$0x3FB0]  }
0x2a: {  	p0 =	seq.s32 s5, $0x0;
	s5 =	sld [smem:$0x3FB1]  }
0x2b: {  	s6 =	sld [smem:$0x3FB2]  }
0x2c: {  	s7 =	sld [smem:$0x3FB3]  }
0x2d: {  	s3 =	simm.s32 $0x108;
	s8 =	sld [smem:$0x3FB4]  }
0x2e: {  	s3 =	simm.s32 @!p0 $0x1082;
	s9 =	sld [smem:$0x3FB5]  }
0x2f: {  	lr =	sadd.s32 s0, s3;
	s0 =	sld [smem:$0x3FAC]  }
0x30: {  	s3 =	sld [smem:$0x3FAF]  }
0x31: {  	[smem:$0x3FB8] =	sst s10  }
0x32: {  	s10 =	sld [smem:$0x3FB6];
	_ =	sdelay $0x3  }
0x33: {  	p0 =	seq.s32 s10, $0x1;
	s10 =	sld [smem:$0x3FB8];
	_ =	sdelay $0x3  }
0x34: {  	[smem:$0x3FB8] =	sst s10  }
0x35: {  	s10 =	sld [smem:$0x3FB7];
	_ =	sdelay $0x3  }
0x36: {  	p1 =	seq.s32 s10, $0x1;
	s10 =	sld [smem:$0x3FB8];
	_ =	sdelay $0x3  }
0x37: {  	[smem:$0x3FB8] =	sst s10  }
0x38: {  	s10 =	sld [smem:$0x3FB9]  }
0x39: {  	_ = 	snop;
	(pc) =	sbr.ind lr, $3  }
0x3a: {  	_ = 	snop  }
0x3b: {  	_ = 	snop  }
0x3c: {  	p2 =	seq.s32 s10, $0x1;
	s10 =	sld [smem:$0x3FB8]  }
0x3d: {  	_ =	shalt  }
0x3e: {  	_ =	shalt  }
0x3f: {  	_ =	shalt  }
0x40: {  	_ =	shalt  }
0x41: {  	_ =	shalt  }
0x42: {  	_ =	shalt  }
0x43: {  	_ =	shalt  }
0x44: {  	_ =	shalt  }
0x45: {  	_ =	shalt  }
0x46: {  	_ =	shalt  }
0x47: {  	_ =	shalt  }
0x48: {  	_ =	shalt  }
0x49: {  	_ =	shalt  }
0x4a: {  	_ =	shalt  }
0x4b: {  	_ =	shalt  }
0x4c: {  	_ =	shalt  }
0x4d: {  	_ =	shalt  }
0x4e: {  	_ =	shalt  }
0x4f: {  	_ =	shalt  }
0x50: {  	_ =	shalt  }
0x51: {  	_ =	shalt  }
0x52: {  	_ =	shalt  }
0x53: {  	_ =	shalt  }
0x54: {  	_ =	shalt  }
0x55: {  	_ =	shalt  }
0x56: {  	_ =	shalt  }
0x57: {  	_ =	shalt  }
0x58: {  	_ =	shalt  }
0x59: {  	_ =	shalt  }
0x5a: {  	_ =	shalt  }
0x5b: {  	_ =	shalt  }
0x5c: {  	_ =	shalt  }
0x5d: {  	_ =	shalt  }
0x5e: {  	_ =	shalt  }
0x5f: {  	_ =	shalt  }
0x60: {  	_ =	shalt  }
0x61: {  	_ =	shalt  }
0x62: {  	_ =	shalt  }
0x63: {  	_ =	shalt  }
0x64: {  	_ =	shalt  }
0x65: {  	_ =	shalt  }
0x66: {  	_ =	shalt  }
0x67: {  	_ =	shalt  }
0x68: {  	_ =	shalt  }
0x69: {  	_ =	shalt  }
0x6a: {  	_ =	shalt  }
0x6b: {  	_ =	shalt  }
0x6c: {  	_ =	shalt  }
0x6d: {  	_ =	shalt  }
0x6e: {  	_ =	shalt  }
0x6f: {  	_ =	shalt  }
0x70: {  	_ =	shalt  }
0x71: {  	_ =	shalt  }
0x72: {  	_ =	shalt  }
0x73: {  	_ =	shalt  }
0x74: {  	_ =	shalt  }
0x75: {  	_ =	shalt  }
0x76: {  	_ =	shalt  }
0x77: {  	_ =	shalt  }
0x78: {  	_ =	shalt  }
0x79: {  	_ =	shalt  }
0x7a: {  	_ =	shalt  }
0x7b: {  	_ =	shalt  }
0x7c: {  	_ =	shalt  }
0x7d: {  	_ =	shalt  }
0x7e: {  	_ =	shalt  }
0x7f: {  	_ =	shalt  }
0x80: {  	_ =	shalt  }
0x81: {  	_ =	shalt  }
0x82: {  	_ =	shalt  }
0x83: {  	_ =	shalt  }
0x84: {  	_ =	shalt  }
0x85: {  	_ =	shalt  }
0x86: {  	_ =	shalt  }
0x87: {  	_ =	shalt  }
.Lfunc_end0:
.L_simem_size_0:
called_computation_lowered:
.L_overlay_start_0:
0x88: {  	s2 =	sld [smem:$0x3FD9]  }
0x89: {  	s3 =	sld [smem:$0x3FFE];
	_ =	sdelay $0x1  }
0x8a: {  	s1 =	srdreg.scid  }
0x8b: {  	s0 =	sand.u32 $0x1, s1  }
0x8c: {  	s14 =	sshll.u32 s0, $0xA;
	s2 =	sadd.s32 s3, s2  }
0x8d: {  	s2 =	sadd.s32 s2, s14  }
0x8e: {  	[smem:$0x3FC4] =	sst s2  }
0x8f: {  	_ = 	snop  }
0x90: {  	s2 =	sld [smem:$0x3FD0];
	_ =	sdelay $0x2  }
0x91: {  	s15 =	simm.s32 $0xA;
	s4 =	simm.s32 $0x10  }
0x92: {  	[smem:s4], [sflag:s15] =	dma.local [hbm:s2], $0x1  }
0x93: {  	_ =	swait.eq [sflag:s15], $0x1  }
0x94: {  	[sflag:s15] =	ssyncset.done $0x0  }
0x95: {  	s16 =	sld [smem:$0x10];
	[sflag:s15] =	ssyncadd.s32 $0xFFFFFFFF  }
0x96: {  	s17 =	sld [smem:$0x11];
	(tm) =	ssettm $0x1  }
0x97: {  	s18 =	sld [smem:$0x3FFB];
	_ =	sdelay $0x3  }
0x98: {  	_ =	strace s18  }
0x99: {  	s4 =	sld [smem:$0x3FFC];
	_ =	sdelay $0x3  }
0x9a: {  	_ =	strace s4  }
0x9b: {  	s4 =	sld [smem:$0x3FFD];
	_ =	sdelay $0x3  }
0x9c: {  	_ =	strace s4  }
0x9d: {  	_ =	strace $0x8FFFFFFF  }
0x9e: {  	s19 =	sld [smem:$0x3FDB];
	_ =	sdelay $0x1  }
0x9f: {  	s5 =	simm.s32 $_scs_section_size  }
0xa0: {  	s6 =	simm.s32 $_size__tile_overlayer_lowered;
	s7 =	simm.s32 $_tile_overlayer_lowered  }
0xa1: {  	s22 =	simm.s32 $0x1BFF;
	s21 =	sshll.u32 s7, $0x1;
	s4 =	sadd.s32 s5, s19  }
0xa2: {  	s8 =	simm.s32 $0x0;
	s20 =	sshll.u32 s6, $0x1;
	s6 =	sadd.s32 s21, s4  }
0xa3: {  	[timem:s8], [sflag:s22] =	dma.local [hbm:s6], s20  }
0xa4: {  	_ =	swait.ge [sflag:s22], s20  }
0xa5: {  	s5 =	ssub.s32 $0x0, s20;
	[sflag:s22] =	ssyncset.done $0x0  }
0xa6: {  	[sflag:s22] =	ssyncadd.s32 s5;
	_ =	sdelay $0x1  }
0xa7: {  	s23 =	simm.s32 $0x1B8B  }
0xa8: {  	_ =	swait.ge [sflag:s23], $0x1  }
0xa9: {  	[sflag:s23] =	ssyncset.done $0x0  }
0xaa: {  	s25 =	simm.s32 $0x1B8E;
	s24 =	sld [smem:$0x3FFE];
	[sflag:s23] =	ssyncadd.s32 $0xFFFFFFFF  }
0xab: {  	s26 =	simm.s32 $execute0_lowered;
	[smem:$0x3FD2] =	sst s25  }
0xac: {  	s6 =	sshll.u32 s26, $0x1;
	_ =	strace $0x80000046;
	[dreg:$0x1] =	wrdreg $0xFFFFFFFF  }
0xad: {  	s28 =	simm.s32 $_size_execute0_lowered;
	s4 =	sadd.s32 s4, s6;
	[dreg:$0x0] =	wrdreg $0x0  }
0xae: {  	s6 =	sshll.u32 s28, $0x1;
	[dreg:$0x2] =	wrdreg s4  }
0xaf: {  	[dreg:$0x3] =	wrdreg s6  }
0xb0: {  	[dreg:$0x4] =	wrdreg $0xC0  }
0xb1: {  	_ =	task [dreg:s8], $0x5FFFF  }
0xb2: {  	[dreg:$0x1] =	wrdreg $0xFFFFFFFF  }
0xb3: {  	[dreg:$0x0] =	wrdreg $0x60  }
0xb4: {  	[dreg:$0x2] =	wrdreg s24  }
0xb5: {  	[dreg:$0x3] =	wrdreg s17  }
0xb6: {  	[dreg:$0x4] =	wrdreg s16  }
0xb7: {  	[dreg:$0x5] =	wrdreg $0x55800  }
0xb8: {  	[dreg:$0x6] =	wrdreg $0x9  }
0xb9: {  	_ =	task.clear_ibuf [dreg:s8], $0x7FFFF;
	_ =	strace $0x90000046  }
0xba: {  	s29 =	simm.s32 $0x9;
	_ =	strace $0x80000048  }
0xbb: {  	_ =	swait.ge [sflag:s29], $0x1  }
0xbc: {  	[sflag:s29] =	ssyncadd.s32 $0xFFFFFFFF  }
0xbd: {  	_ =	strace $0x90000048  }
0xbe: {  	_ =	sfence  }
0xbf: {  	s30 =	sld [smem:$0x0];
	_ =	sdelay $0x2  }
0xc0: {  	s31 =	sshll.u32 s1, $0xD;
	s1 =	sshrl.u32 s1, $0x2  }
0xc1: {  	s3 =	sand.u32 $0x4000, s31;
	s1 =	sadd.s32 s1, s30  }
0xc2: {  	s0 =	sor.u32 s3, s0;
	s1 =	sshll.u32 s1, $0x11  }
0xc3: {  	s0 =	sor.u32 s1, s0  }
0xc4: {  	s0 =	sadd.s32 $0x8F2B, s0  }
0xc5: {  	[sflag:s0] =	ssyncadd.remote.s32 $0x1  }
0xc6: {  	_ =	sfence.sel $0xFFFF  }
0xc7: {  	[dreg:$0x0] =	wrdreg $0xFFFFFFFF;
	(pc) =	sbr.abs _section_cstart, $3  }
0xc8: {  	[dreg:$0x1] =	wrdreg $0xFFFFFFFF  }
0xc9: {  	_ =	task.clear_ibuf [dreg:s8], $0x2FFFF;
	_ =	strace $0x9FFFFFFF  }
0xca: {  	(tm) =	ssettm $0x7FFFFFFF  }
0xcb: {  	_ =	shalt  }
tec
execute0_lowered:
.L_overlay_start_1:
0x0: {  	(tag) =	ssettag $0x1  }
0x1: {  	s0 =	rddreg [dreg:$0x0]  }
0x2: {  	s8 =	rddreg [dreg:$0x1]  }
0x3: {  	s9 =	rddreg [dreg:$0x2]  }
0x4: {  	s1 =	srdreg.scid;
	s3 =	rddreg [dreg:$0x3]  }
0x5: {  	s2 =	stileid.u32;
	s4 =	simm.s32 $0x0;
	s15 =	simm.s32 $0x3100  }
0x6: {  	s16 =	simm.s32 $0x80;
	s17 =	simm.s32 $0x4980;
	s18 =	simm.s32 $0x4D80  }
0x7: {  	s19 =	simm.s32 $0x5180;
	s20 =	simm.s32 $0x1;
	s21 =	simm.s32 $0x2  }
0x8: {  	s22 =	simm.s32 $0x3;
	s5 =	sand.u32 $0x1, s1;
	s1 =	rddreg [dreg:$0x4]  }
0x9: {  	s23 =	simm.s32 $0x0;
	s7 =	smul.u32 $0xC400, s2;
	[smem:$0x7FF] =	sst s4  }
0xa: {  	s31 =	sshll.u32 s2, $0x6;
	s6 =	sshll.u32 s5, $0x4;
	s10 =	smul.u32 $0xC4000, s5  }
0xb: {  	_ =	strace $0x80000047;
	s12 =	ssub.s32 $0x2, s5;
	s6 =	sor.u32 s2, s6  }
0xc: {  	s5 =	sadd.s32 $0x1EA00, s0;
	s11 =	smul.u32 $0x310, s6;
	s28 =	sadd.s32 s7, s10  }
0xd: {  	s30 =	sshrl.u32 s12, $0x1;
	s14 =	sadd.s32 s7, s3;
	s6 =	sshrl.u32 s28, $0x3  }
0xe: {  	s12 =	ssub.s32 s12, s30;
	s29 =	sadd.s32 s11, s0;
	s13 =	sadd.s32 s6, s0  }
0xf: {  	s6 =	sor.u32 $0x1C04, s31;
	s8 =	sadd.s32 s8, s11;
	s9 =	sadd.s32 s9, s11  }
0x10: {  	s11 =	smax.u32 s12, $0x1;
	s12 =	sshrl.u32 s14, $0x3;
	s14 =	simm.s32 $0x1880  }
0x11: {  	s7 =	sadd.s32 $0x18800, s29;
	s10 =	sadd.s32 $0x20400, s13;
	s13 =	simm.s32 $0x4  }
.LBB2_1:
0x12: {  	[spmem:s12], [sflag:s6] =	dma.local [hbm:s5], $0x1880  }
0x13: {  	_ =	swait.ge [sflag:s13], $0x1880  }
0x14: {  	[sflag:s13] =	ssyncset.done $0x0  }
0x15: {  	[sflag:s13] =	ssyncadd.s32 $0xFFFFE780  }
0x16: {  	[tilespmem:s4], [sflag:$0x4] =	stream.linear.gather [hbm4b:s7+s4], $0x1880, $0x38;
	[tilespmem:$0x11980] =	vst v63  }
0x17: {  	_ =	swait.ge [sflag:s13], $0x1880  }
0x18: {  	[sflag:s13] =	ssyncset.done $0x0  }
0x19: {  	[sflag:s13] =	ssyncadd.s32 $0xFFFFE780  }
0x1a: {  	[tilespmem:s14], [sflag:$0x4] =	stream.linear.gather [hbm4b:s8+s4], $0x1880, $0x38;
	[tilespmem:$0x11980] =	vst v63  }
0x1b: {  	_ =	swait.ge [sflag:s13], $0x1880  }
0x1c: {  	[sflag:s13] =	ssyncset.done $0x0  }
0x1d: {  	[sflag:s13] =	ssyncadd.s32 $0xFFFFE780  }
0x1e: {  	[tilespmem:s15], [sflag:$0x4] =	stream.linear.gather [hbm4b:s9+s4], $0x1880, $0x38;
	[tilespmem:$0x11980] =	vst v63  }
0x1f: {  	_ =	swait.ge [sflag:s13], $0x1880  }
0x20: {  	[sflag:s13] =	ssyncset.done $0x0  }
0x21: {  	[sflag:s13] =	ssyncadd.s32 $0xFFFFE780  }
0x22: {  	s24 =	simm.s32 $0x0;
	[bflag:$0x0] =	sbarrier.arrive $0xFFFF  }
0x23: {  	[tilespmem:s17], [sflag:$0x1] =	stream.indirect.gather [hbm4b:s0+s16], $0x8, s24, s16, $0xb8;
	[tilespmem:$0x11980] =	vst v63  }
0x24: {  	s25 =	simm.s32 $0x1880  }
0x25: {  	[tilespmem:s18], [sflag:$0x2] =	stream.indirect.gather [hbm4b:s0+s16], $0x8, s25, s16, $0xb8;
	[tilespmem:$0x11980] =	vst v63  }
0x26: {  	s26 =	simm.s32 $0x3100  }
0x27: {  	[tilespmem:s19], [sflag:$0x3] =	stream.indirect.gather [hbm4b:s0+s16], $0x8, s26, s16, $0xb8;
	[tilespmem:$0x11980] =	vst v63  }
0x28: {  	_ =	swait.ge [sflag:s20], $0x400  }
0x29: {  	[sflag:s20] =	ssyncset.done $0x0  }
0x2a: {  	[sflag:s20] =	ssyncadd.s32 $0xFFFFFC00  }
0x2b: {  	_ =	swait.ge [sflag:s21], $0x400  }
0x2c: {  	[sflag:s21] =	ssyncset.done $0x0  }
0x2d: {  	[sflag:s21] =	ssyncadd.s32 $0xFFFFFC00  }
0x2e: {  	_ =	swait.ge [sflag:s22], $0x400  }
0x2f: {  	[sflag:s22] =	ssyncset.done $0x0  }
0x30: {  	[sflag:s22] =	ssyncadd.s32 $0xFFFFFC00  }
0x31: {  	[spmem:s3] =	stream.indirect.scatter.add.f32 [tilespmem:s18], [sflag:$0x4], $0x8, s24, s16, $0xb8;
	[tilespmem:$0x11980] =	vst v63  }
0x32: {  	_ =	swait.ge [sflag:s13], $0x400  }
0x33: {  	[sflag:s13] =	ssyncset.done $0x0  }
0x34: {  	[sflag:s13] =	ssyncadd.s32 $0xFFFFFC00  }
0x35: {  	[spmem:s3] =	stream.indirect.scatter.add.f32 [tilespmem:s19], [sflag:$0x4], $0x8, s24, s16, $0xb8;
	[tilespmem:$0x11980] =	vst v63  }
0x36: {  	_ =	swait.ge [sflag:s13], $0x400  }
0x37: {  	[sflag:s13] =	ssyncset.done $0x0  }
0x38: {  	[sflag:s13] =	ssyncadd.s32 $0xFFFFFC00  }
0x39: {  	[spmem:s3] =	stream.indirect.scatter.add.f32 [tilespmem:s17], [sflag:$0x4], $0x8, s25, s16, $0xb8;
	[tilespmem:$0x11980] =	vst v63  }
0x3a: {  	_ =	swait.ge [sflag:s13], $0x400  }
0x3b: {  	[sflag:s13] =	ssyncset.done $0x0  }
0x3c: {  	[sflag:s13] =	ssyncadd.s32 $0xFFFFFC00  }
0x3d: {  	[spmem:s3] =	stream.indirect.scatter.add.f32 [tilespmem:s19], [sflag:$0x4], $0x8, s25, s16, $0xb8;
	[tilespmem:$0x11980] =	vst v63  }
0x3e: {  	_ =	swait.ge [sflag:s13], $0x400  }
0x3f: {  	[sflag:s13] =	ssyncset.done $0x0  }
0x40: {  	[sflag:s13] =	ssyncadd.s32 $0xFFFFFC00  }
0x41: {  	[spmem:s3] =	stream.indirect.scatter.add.f32 [tilespmem:s17], [sflag:$0x4], $0x8, s26, s16, $0xb8;
	[tilespmem:$0x11980] =	vst v63  }
0x42: {  	_ =	swait.ge [sflag:s13], $0x400  }
0x43: {  	[sflag:s13] =	ssyncset.done $0x0  }
0x44: {  	[sflag:s13] =	ssyncadd.s32 $0xFFFFFC00  }
0x45: {  	[spmem:s3] =	stream.indirect.scatter.add.f32 [tilespmem:s18], [sflag:$0x4], $0x8, s26, s16, $0xb8;
	[tilespmem:$0x11980] =	vst v63  }
0x46: {  	_ =	swait.ge [sflag:s13], $0x400  }
0x47: {  	s24 =	simm.s32 $0x200;
	s26 =	simm.s32 $0x400;
	[sflag:s13] =	ssyncset.done $0x0  }
.LBB2_2:
0x48: {  	s28 =	sshra.s32 s24, $0x2  }
0x49: {  	[sflag:s13] =	ssyncadd.s32 $0xFFFFFC00;
	s24 =	smov.u32 s26;
	s25 =	sadd.s32 $0x200, s26  }
0x4a: {  	[tilespmem:s17], [sflag:$0x1] =	stream.indirect.gather [hbm4b:s0+s16], $0x8, s28, s16, $0xb8;
	[tilespmem:$0x11980] =	vst v63  }
0x4b: {  	p0 =	sne.s32 s26, $0x6000;
	s26 =	sadd.s32 $0x1880, s28  }
0x4c: {  	[tilespmem:s18], [sflag:$0x2] =	stream.indirect.gather [hbm4b:s0+s16], $0x8, s26, s16, $0xb8;
	[tilespmem:$0x11980] =	vst v63  }
0x4d: {  	s29 =	sadd.s32 $0x3100, s28  }
0x4e: {  	[tilespmem:s19], [sflag:$0x3] =	stream.indirect.gather [hbm4b:s0+s16], $0x8, s29, s16, $0xb8;
	[tilespmem:$0x11980] =	vst v63  }
0x4f: {  	_ =	swait.ge [sflag:s20], $0x400  }
0x50: {  	[sflag:s20] =	ssyncset.done $0x0  }
0x51: {  	[sflag:s20] =	ssyncadd.s32 $0xFFFFFC00  }
0x52: {  	_ =	swait.ge [sflag:s21], $0x400  }
0x53: {  	[sflag:s21] =	ssyncset.done $0x0  }
0x54: {  	[sflag:s21] =	ssyncadd.s32 $0xFFFFFC00  }
0x55: {  	_ =	swait.ge [sflag:s22], $0x400  }
0x56: {  	[sflag:s22] =	ssyncset.done $0x0  }
0x57: {  	[sflag:s22] =	ssyncadd.s32 $0xFFFFFC00  }
0x58: {  	[spmem:s3] =	stream.indirect.scatter.add.f32 [tilespmem:s18], [sflag:$0x4], $0x8, s28, s16, $0xb8;
	[tilespmem:$0x11980] =	vst v63  }
0x59: {  	_ =	swait.ge [sflag:s13], $0x400  }
0x5a: {  	[sflag:s13] =	ssyncset.done $0x0  }
0x5b: {  	[sflag:s13] =	ssyncadd.s32 $0xFFFFFC00  }
0x5c: {  	[spmem:s3] =	stream.indirect.scatter.add.f32 [tilespmem:s19], [sflag:$0x4], $0x8, s28, s16, $0xb8;
	[tilespmem:$0x11980] =	vst v63  }
0x5d: {  	_ =	swait.ge [sflag:s13], $0x400  }
0x5e: {  	[sflag:s13] =	ssyncset.done $0x0  }
0x5f: {  	[sflag:s13] =	ssyncadd.s32 $0xFFFFFC00  }
0x60: {  	[spmem:s3] =	stream.indirect.scatter.add.f32 [tilespmem:s17], [sflag:$0x4], $0x8, s26, s16, $0xb8;
	[tilespmem:$0x11980] =	vst v63  }
0x61: {  	_ =	swait.ge [sflag:s13], $0x400  }
0x62: {  	[sflag:s13] =	ssyncset.done $0x0  }
0x63: {  	[sflag:s13] =	ssyncadd.s32 $0xFFFFFC00  }
0x64: {  	[spmem:s3] =	stream.indirect.scatter.add.f32 [tilespmem:s19], [sflag:$0x4], $0x8, s26, s16, $0xb8;
	[tilespmem:$0x11980] =	vst v63  }
0x65: {  	_ =	swait.ge [sflag:s13], $0x400  }
0x66: {  	[sflag:s13] =	ssyncset.done $0x0  }
0x67: {  	[sflag:s13] =	ssyncadd.s32 $0xFFFFFC00  }
0x68: {  	[spmem:s3] =	stream.indirect.scatter.add.f32 [tilespmem:s17], [sflag:$0x4], $0x8, s29, s16, $0xb8;
	[tilespmem:$0x11980] =	vst v63  }
0x69: {  	_ =	swait.ge [sflag:s13], $0x400  }
.Ltmp0:
0x6a: {  	[sflag:s13] =	ssyncset.done $0x0;
	(pc) =	sbr.rel @p0 .LBB2_2-.Ltmp0, $4  }
0x6b: {  	[sflag:s13] =	ssyncadd.s32 $0xFFFFFC00  }
0x6c: {  	[spmem:s3] =	stream.indirect.scatter.add.f32 [tilespmem:s18], [sflag:$0x4], $0x8, s29, s16, $0xb8;
	[tilespmem:$0x11980] =	vst v63  }
0x6d: {  	_ =	swait.ge [sflag:s13], $0x400  }
0x6e: {  	s26 =	smov.u32 s25;
	[sflag:s13] =	ssyncset.done $0x0  }
0x6f: {  	s24 =	sshra.s32 s24, $0x2;
	[sflag:s13] =	ssyncadd.s32 $0xFFFFFC00  }
0x70: {  	[tilespmem:s17], [sflag:$0x1] =	stream.indirect.gather [hbm4b:s0+s16], $0x8, s24, s16, $0xb8;
	[tilespmem:$0x11980] =	vst v63  }
0x71: {  	s25 =	sadd.s32 $0x1880, s24  }
0x72: {  	[tilespmem:s18], [sflag:$0x2] =	stream.indirect.gather [hbm4b:s0+s16], $0x8, s25, s16, $0xb8;
	[tilespmem:$0x11980] =	vst v63  }
0x73: {  	s26 =	sadd.s32 $0x3100, s24  }
0x74: {  	[tilespmem:s19], [sflag:$0x3] =	stream.indirect.gather [hbm4b:s0+s16], $0x8, s26, s16, $0xb8;
	[tilespmem:$0x11980] =	vst v63  }
0x75: {  	_ =	swait.ge [sflag:s20], $0x400  }
0x76: {  	[sflag:s20] =	ssyncset.done $0x0  }
0x77: {  	[sflag:s20] =	ssyncadd.s32 $0xFFFFFC00  }
0x78: {  	_ =	swait.ge [sflag:s21], $0x400  }
0x79: {  	[sflag:s21] =	ssyncset.done $0x0  }
0x7a: {  	[sflag:s21] =	ssyncadd.s32 $0xFFFFFC00  }
0x7b: {  	_ =	swait.ge [sflag:s22], $0x400  }
0x7c: {  	[sflag:s22] =	ssyncset.done $0x0  }
0x7d: {  	[sflag:s22] =	ssyncadd.s32 $0xFFFFFC00  }
0x7e: {  	[spmem:s3] =	stream.indirect.scatter.add.f32 [tilespmem:s18], [sflag:$0x4], $0x8, s24, s16, $0xb8;
	[tilespmem:$0x11980] =	vst v63  }
0x7f: {  	_ =	swait.ge [sflag:s13], $0x400  }
0x80: {  	[sflag:s13] =	ssyncset.done $0x0  }
0x81: {  	[sflag:s13] =	ssyncadd.s32 $0xFFFFFC00  }
0x82: {  	[spmem:s3] =	stream.indirect.scatter.add.f32 [tilespmem:s19], [sflag:$0x4], $0x8, s24, s16, $0xb8;
	[tilespmem:$0x11980] =	vst v63  }
0x83: {  	_ =	swait.ge [sflag:s13], $0x400  }
0x84: {  	[sflag:s13] =	ssyncset.done $0x0  }
0x85: {  	[sflag:s13] =	ssyncadd.s32 $0xFFFFFC00  }
0x86: {  	[spmem:s3] =	stream.indirect.scatter.add.f32 [tilespmem:s17], [sflag:$0x4], $0x8, s25, s16, $0xb8;
	[tilespmem:$0x11980] =	vst v63  }
0x87: {  	_ =	swait.ge [sflag:s13], $0x400  }
0x88: {  	[sflag:s13] =	ssyncset.done $0x0  }
0x89: {  	[sflag:s13] =	ssyncadd.s32 $0xFFFFFC00  }
0x8a: {  	[spmem:s3] =	stream.indirect.scatter.add.f32 [tilespmem:s19], [sflag:$0x4], $0x8, s25, s16, $0xb8;
	[tilespmem:$0x11980] =	vst v63  }
0x8b: {  	_ =	swait.ge [sflag:s13], $0x400  }
0x8c: {  	[sflag:s13] =	ssyncset.done $0x0  }
0x8d: {  	[sflag:s13] =	ssyncadd.s32 $0xFFFFFC00  }
0x8e: {  	[spmem:s3] =	stream.indirect.scatter.add.f32 [tilespmem:s17], [sflag:$0x4], $0x8, s26, s16, $0xb8;
	[tilespmem:$0x11980] =	vst v63  }
0x8f: {  	_ =	swait.ge [sflag:s13], $0x400  }
0x90: {  	[sflag:s13] =	ssyncset.done $0x0  }
0x91: {  	[sflag:s13] =	ssyncadd.s32 $0xFFFFFC00  }
0x92: {  	[spmem:s3] =	stream.indirect.scatter.add.f32 [tilespmem:s18], [sflag:$0x4], $0x8, s26, s16, $0xb8;
	[tilespmem:$0x11980] =	vst v63  }
0x93: {  	_ =	swait.ge [sflag:s13], $0x400  }
0x94: {  	s23 =	sadd.s32 $0x1, s23;
	[sflag:s13] =	ssyncset.done $0x0  }
0x95: {  	p0 =	sne.s32 s23, s11;
	[sflag:s13] =	ssyncadd.s32 $0xFFFFFC00  }
.Ltmp1:
0x96: {  	[bflag:$0x0] =	sbarrier.arrive $0xFFFF;
	(pc) =	sbr.rel @p0 .LBB2_1-.Ltmp1, $4  }
0x97: {  	[hbm:s10], [sflag:s6] =	dma.local [spmem:s12], $0x1880  }
0x98: {  	_ =	swait.ge [sflag:s13], $0x1880  }
0x99: {  	[sflag:s13] =	ssyncset.done $0x0  }
0x9a: {  	[sflag:s13] =	ssyncadd.s32 $0xFFFFE780  }
0x9b: {  	_ =	sfence.sel $0x180000  }
0x9c: {  	[bflag:$0x0] =	sbarrier.arrive $0xFFFF  }
0x9d: {  	p0 =	sne.s32 s2, $0x0;
	_ =	strace $0x90000047  }
0x9e: {  	s0 =	sadd.s32 @!p0 $0x100000, s1;
	[bflag:$0x2] =	sbarrier.arrive $0xFFFF  }
0x9f: {  	[sflag:s0] =	ssyncadd.tile.s32 @!p0 $0x1;
	_ =	shalt  }
.Lfunc_end2:
_tile_overlayer_lowered:
.L_overlay_start_2:
0xa0: {  	(tag) =	ssettag $0x2  }
0xa1: {  	s0 =	rddreg [dreg:$0x0];
	s2 =	stileid.u32  }
0xa2: {  	s1 =	rddreg [dreg:$0x1];
	p0 =	sne.s32 s2, $0x0  }
0xa3: {  	s3 =	rddreg [dreg:$0x2];
	[bflag:$0x3] =	sbarrier.arrive $0xFFFF;
	s2 =	simm.s32 @!p0 $0x1C04  }
0xa4: {  	[timem:s3], [sflag:s2] =	dma.local @!p0 [hbm:s0], s1  }
0xa5: {  	s0 =	simm.s32 @!p0 $0x4  }
0xa6: {  	_ =	swait.ge @!p0 [sflag:s0], s1  }
0xa7: {  	s1 =	ssub.s32 @!p0 $0x0, s1;
	[sflag:s0] =	ssyncset.done @!p0 $0x0  }
0xa8: {  	[sflag:s0] =	ssyncadd.s32 @!p0 s1  }
0xa9: {  	[bflag:$0x3] =	sbarrier.arrive $0xFFFF  }
0xaa: {  	_ =	shalt  }

// kernel: kernel.8.cloned.1.call-start
scs
__scs_entry_jumppad:
0x0: {  	(pc) =	sbr.rel $0x88, $3  }
0x1: {  	(tag) =	ssettag $0x0;
	lr =	simm.s32 $0x1  }
0x2: {  	[smem:$0x3F9D] =	sst lr;
	_ =	strace $0xD0000000  }
0x3: {  	_ = 	snop  }
0x4: {  	_ = 	snop  }
0x5: {  	_ = 	snop  }
0x6: {  	_ = 	snop  }
0x7: {  	_ = 	snop  }
__scs_overlays_trampoline_lowered:
0x8: {  	[smem:$0x3FAC] =	sst s0  }
0x9: {  	[smem:$0x3FAD] =	sst s1  }
0xa: {  	[smem:$0x3FAE] =	sst s2  }
0xb: {  	[smem:$0x3FAF] =	sst s3  }
0xc: {  	[smem:$0x3FB0] =	sst s4  }
0xd: {  	[smem:$0x3FB1] =	sst s5  }
0xe: {  	[smem:$0x3FB2] =	sst s6  }
0xf: {  	[smem:$0x3FB3] =	sst s7  }
0x10: {  	[smem:$0x3FB4] =	sst s8  }
0x11: {  	[smem:$0x3FB5] =	sst s9;
	s0 =	simm.s32 @!p0 $0x0  }
0x12: {  	s1 =	sld [smem:$0x3F9B];
	s0 =	simm.s32 @p0 $0x1  }
0x13: {  	[smem:$0x3FB6] =	sst s0;
	s0 =	simm.s32 @!p1 $0x0  }
0x14: {  	s2 =	sld [smem:$0x3F9A];
	s0 =	simm.s32 @p1 $0x1  }
0x15: {  	[smem:$0x3FB7] =	sst s0;
	s0 =	simm.s32 @!p2 $0x0  }
0x16: {  	s3 =	sld [smem:$0x3FDB];
	s0 =	simm.s32 @p2 $0x1  }
0x17: {  	s4 =	simm.s32 $0x1BF5;
	[smem:$0x3FB9] =	sst s0  }
0x18: {  	s0 =	sld [smem:$0x3F9C];
	_ =	swait.ge [sflag:s4], $0x0  }
0x19: {  	s7 =	sld [smem:$0x3F9D]  }
0x1a: {  	s8 =	sadd.s32 $0xFFFFE003, lr  }
0x1b: {  	s9 =	sadd.s32 $0xFFFFFEF7, lr;
	s5 =	simm.s32 $0xFFFFFFFF;
	p2 =	slt.u32 s8, $0xFFFFF086  }
0x1c: {  	p1 =	slt.u32 s9, $0xF7A;
	s5 =	simm.s32 @!p2 $0x0  }
0x1d: {  	s5 =	simm.s32 @p1 $0x1;
	p0 =	seq.s32 s7, s2  }
0x1e: {  	s7 =	smul.u32 @!p0 $0xF7A, s2;
	p2 =	seq.s32 @!p0 s5, $0x0  }
0x1f: {  	s9 =	smul.u32 $0xF7A, s1;
	s8 =	simm.s32 @!p0 $0x1BF5;
	p2 =	por !p2, p0  }
0x20: {  	[sflag:s8] =	ssyncset.s32 @!p0 $0xFFFFF086;
	s6 =	sadd.s32 @!p0 s3, s7;
	s7 =	simm.s32 @!p0 $0x108  }
0x21: {  	s3 =	sadd.s32 s3, s9;
	s6 =	sadd.s32 @!p0 $0x88, s6;
	s7 =	simm.s32 @p2 $0x1082  }
0x22: {  	[simem:s7], [sflag:s8] =	dma.local @!p0 [hbm:s6], $0xF7A  }
0x23: {  	s9 =	sor.u32 $0xD0000000, s2;
	s6 =	simm.s32 $0x108;
	_ =	swait.ge @!p0 [sflag:s8], $0x0  }
0x24: {  	s3 =	sadd.s32 $0x88, s3;
	s6 =	simm.s32 @!p1 $0x1082;
	[sflag:s4] =	ssyncset.s32 $0xFFFFF086  }
0x25: {  	[simem:s6], [sflag:s4] =	dma.local [hbm:s3], $0xF7A  }
0x26: {  	[smem:$0x3F9D] =	sst s1;
	(tag) =	ssettag s2;
	_ =	strace s9  }
0x27: {  	s1 =	sld [smem:$0x3FAD]  }
0x28: {  	s2 =	sld [smem:$0x3FAE]  }
0x29: {  	s4 =	sld [smem:$0x3FB0]  }
0x2a: {  	p0 =	seq.s32 s5, $0x0;
	s5 =	sld [smem:$0x3FB1]  }
0x2b: {  	s6 =	sld [smem:$0x3FB2]  }
0x2c: {  	s7 =	sld [smem:$0x3FB3]  }
0x2d: {  	s3 =	simm.s32 $0x108;
	s8 =	sld [smem:$0x3FB4]  }
0x2e: {  	s3 =	simm.s32 @!p0 $0x1082;
	s9 =	sld [smem:$0x3FB5]  }
0x2f: {  	lr =	sadd.s32 s0, s3;
	s0 =	sld [smem:$0x3FAC]  }
0x30: {  	s3 =	sld [smem:$0x3FAF]  }
0x31: {  	[smem:$0x3FB8] =	sst s10  }
0x32: {  	s10 =	sld [smem:$0x3FB6];
	_ =	sdelay $0x3  }
0x33: {  	p0 =	seq.s32 s10, $0x1;
	s10 =	sld [smem:$0x3FB8];
	_ =	sdelay $0x3  }
0x34: {  	[smem:$0x3FB8] =	sst s10  }
0x35: {  	s10 =	sld [smem:$0x3FB7];
	_ =	sdelay $0x3  }
0x36: {  	p1 =	seq.s32 s10, $0x1;
	s10 =	sld [smem:$0x3FB8];
	_ =	sdelay $0x3  }
0x37: {  	[smem:$0x3FB8] =	sst s10  }
0x38: {  	s10 =	sld [smem:$0x3FB9]  }
0x39: {  	_ = 	snop;
	(pc) =	sbr.ind lr, $3  }
0x3a: {  	_ = 	snop  }
0x3b: {  	_ = 	snop  }
0x3c: {  	p2 =	seq.s32 s10, $0x1;
	s10 =	sld [smem:$0x3FB8]  }
0x3d: {  	_ =	shalt  }
0x3e: {  	_ =	shalt  }
0x3f: {  	_ =	shalt  }
0x40: {  	_ =	shalt  }
0x41: {  	_ =	shalt  }
0x42: {  	_ =	shalt  }
0x43: {  	_ =	shalt  }
0x44: {  	_ =	shalt  }
0x45: {  	_ =	shalt  }
0x46: {  	_ =	shalt  }
0x47: {  	_ =	shalt  }
0x48: {  	_ =	shalt  }
0x49: {  	_ =	shalt  }
0x4a: {  	_ =	shalt  }
0x4b: {  	_ =	shalt  }
0x4c: {  	_ =	shalt  }
0x4d: {  	_ =	shalt  }
0x4e: {  	_ =	shalt  }
0x4f: {  	_ =	shalt  }
0x50: {  	_ =	shalt  }
0x51: {  	_ =	shalt  }
0x52: {  	_ =	shalt  }
0x53: {  	_ =	shalt  }
0x54: {  	_ =	shalt  }
0x55: {  	_ =	shalt  }
0x56: {  	_ =	shalt  }
0x57: {  	_ =	shalt  }
0x58: {  	_ =	shalt  }
0x59: {  	_ =	shalt  }
0x5a: {  	_ =	shalt  }
0x5b: {  	_ =	shalt  }
0x5c: {  	_ =	shalt  }
0x5d: {  	_ =	shalt  }
0x5e: {  	_ =	shalt  }
0x5f: {  	_ =	shalt  }
0x60: {  	_ =	shalt  }
0x61: {  	_ =	shalt  }
0x62: {  	_ =	shalt  }
0x63: {  	_ =	shalt  }
0x64: {  	_ =	shalt  }
0x65: {  	_ =	shalt  }
0x66: {  	_ =	shalt  }
0x67: {  	_ =	shalt  }
0x68: {  	_ =	shalt  }
0x69: {  	_ =	shalt  }
0x6a: {  	_ =	shalt  }
0x6b: {  	_ =	shalt  }
0x6c: {  	_ =	shalt  }
0x6d: {  	_ =	shalt  }
0x6e: {  	_ =	shalt  }
0x6f: {  	_ =	shalt  }
0x70: {  	_ =	shalt  }
0x71: {  	_ =	shalt  }
0x72: {  	_ =	shalt  }
0x73: {  	_ =	shalt  }
0x74: {  	_ =	shalt  }
0x75: {  	_ =	shalt  }
0x76: {  	_ =	shalt  }
0x77: {  	_ =	shalt  }
0x78: {  	_ =	shalt  }
0x79: {  	_ =	shalt  }
0x7a: {  	_ =	shalt  }
0x7b: {  	_ =	shalt  }
0x7c: {  	_ =	shalt  }
0x7d: {  	_ =	shalt  }
0x7e: {  	_ =	shalt  }
0x7f: {  	_ =	shalt  }
0x80: {  	_ =	shalt  }
0x81: {  	_ =	shalt  }
0x82: {  	_ =	shalt  }
0x83: {  	_ =	shalt  }
0x84: {  	_ =	shalt  }
0x85: {  	_ =	shalt  }
0x86: {  	_ =	shalt  }
0x87: {  	_ =	shalt  }
.Lfunc_end0:
.L_simem_size_0:
called_computation.1_lowered:
.L_overlay_start_0:
0x88: {  	s2 =	sld [smem:$0x3FD9]  }
0x89: {  	s3 =	sld [smem:$0x3FFE];
	_ =	sdelay $0x1  }
0x8a: {  	s1 =	srdreg.scid  }
0x8b: {  	s0 =	sand.u32 $0x1, s1  }
0x8c: {  	s14 =	sshll.u32 s0, $0xA;
	s2 =	sadd.s32 s3, s2  }
0x8d: {  	s2 =	sadd.s32 s2, s14  }
0x8e: {  	[smem:$0x3FC4] =	sst s2  }
0x8f: {  	_ = 	snop  }
0x90: {  	s2 =	sld [smem:$0x3FD0];
	_ =	sdelay $0x2  }
0x91: {  	s15 =	simm.s32 $0xA;
	s4 =	simm.s32 $0x10  }
0x92: {  	[smem:s4], [sflag:s15] =	dma.local [hbm:s2], $0x1  }
0x93: {  	_ =	swait.eq [sflag:s15], $0x1  }
0x94: {  	[sflag:s15] =	ssyncset.done $0x0  }
0x95: {  	[sflag:s15] =	ssyncadd.s32 $0xFFFFFFFF  }
0x96: {  	s16 =	sld [smem:$0x12];
	(tm) =	ssettm $0x1  }
0x97: {  	s17 =	sld [smem:$0x3FFB];
	_ =	sdelay $0x3  }
0x98: {  	_ =	strace s17  }
0x99: {  	s3 =	sld [smem:$0x3FFC];
	_ =	sdelay $0x3  }
0x9a: {  	_ =	strace s3  }
0x9b: {  	s3 =	sld [smem:$0x3FFD];
	_ =	sdelay $0x3  }
0x9c: {  	_ =	strace s3  }
0x9d: {  	_ =	strace $0x8FFFFFFF  }
0x9e: {  	s18 =	sld [smem:$0x3FDB];
	_ =	sdelay $0x1  }
0x9f: {  	s19 =	simm.s32 $_scs_section_size  }
0xa0: {  	s5 =	simm.s32 $_size__tile_overlayer_lowered;
	s6 =	simm.s32 $_tile_overlayer_lowered  }
0xa1: {  	s22 =	simm.s32 $0x1BFF;
	s21 =	sshll.u32 s6, $0x1;
	s3 =	sadd.s32 s19, s18  }
0xa2: {  	s7 =	simm.s32 $0x0;
	s20 =	sshll.u32 s5, $0x1;
	s5 =	sadd.s32 s21, s3  }
0xa3: {  	[timem:s7], [sflag:s22] =	dma.local [hbm:s5], s20  }
0xa4: {  	_ =	swait.ge [sflag:s22], s20  }
0xa5: {  	s4 =	ssub.s32 $0x0, s20;
	[sflag:s22] =	ssyncset.done $0x0  }
0xa6: {  	[sflag:s22] =	ssyncadd.s32 s4;
	_ =	sdelay $0x1  }
0xa7: {  	s23 =	simm.s32 $0x1B8B  }
0xa8: {  	_ =	swait.ge [sflag:s23], $0x1  }
0xa9: {  	[sflag:s23] =	ssyncset.done $0x0  }
0xaa: {  	s25 =	simm.s32 $0x1B8E;
	s24 =	sld [smem:$0x3FFE];
	[sflag:s23] =	ssyncadd.s32 $0xFFFFFFFF  }
0xab: {  	s26 =	simm.s32 $execute0_lowered;
	[smem:$0x3FD2] =	sst s25  }
0xac: {  	s5 =	sshll.u32 s26, $0x1;
	_ =	strace $0x80000049;
	[dreg:$0x1] =	wrdreg $0xFFFFFFFF  }
0xad: {  	s28 =	simm.s32 $_size_execute0_lowered;
	s3 =	sadd.s32 s3, s5;
	[dreg:$0x0] =	wrdreg $0x0  }
0xae: {  	s5 =	sshll.u32 s28, $0x1;
	[dreg:$0x2] =	wrdreg s3  }
0xaf: {  	[dreg:$0x3] =	wrdreg s5  }
0xb0: {  	[dreg:$0x4] =	wrdreg $0xC0  }
0xb1: {  	_ =	task [dreg:s7], $0x5FFFF  }
0xb2: {  	[dreg:$0x1] =	wrdreg $0xFFFFFFFF  }
0xb3: {  	[dreg:$0x0] =	wrdreg $0x60  }
0xb4: {  	[dreg:$0x2] =	wrdreg s24  }
0xb5: {  	[dreg:$0x3] =	wrdreg s16  }
0xb6: {  	[dreg:$0x4] =	wrdreg $0x134800  }
0xb7: {  	[dreg:$0x5] =	wrdreg $0x9  }
0xb8: {  	_ =	task.clear_ibuf [dreg:s7], $0x6FFFF;
	_ =	strace $0x90000049  }
0xb9: {  	s29 =	simm.s32 $0x9;
	_ =	strace $0x8000004B  }
0xba: {  	_ =	swait.ge [sflag:s29], $0x1  }
0xbb: {  	[sflag:s29] =	ssyncadd.s32 $0xFFFFFFFF  }
0xbc: {  	_ =	strace $0x9000004B  }
0xbd: {  	_ =	sfence  }
0xbe: {  	s30 =	sld [smem:$0x0];
	_ =	sdelay $0x2  }
0xbf: {  	s31 =	sshll.u32 s1, $0xD;
	s1 =	sshrl.u32 s1, $0x2  }
0xc0: {  	s3 =	sand.u32 $0x4000, s31;
	s1 =	sadd.s32 s1, s30  }
0xc1: {  	s0 =	sor.u32 s3, s0;
	s1 =	sshll.u32 s1, $0x11  }
0xc2: {  	s0 =	sor.u32 s1, s0  }
0xc3: {  	s0 =	sadd.s32 $0x8F2B, s0  }
0xc4: {  	[sflag:s0] =	ssyncadd.remote.s32 $0x1  }
0xc5: {  	_ =	sfence.sel $0xFFFF  }
0xc6: {  	[dreg:$0x0] =	wrdreg $0xFFFFFFFF;
	(pc) =	sbr.abs _section_cstart, $3  }
0xc7: {  	[dreg:$0x1] =	wrdreg $0xFFFFFFFF  }
0xc8: {  	_ =	task.clear_ibuf [dreg:s7], $0x2FFFF;
	_ =	strace $0x9FFFFFFF  }
0xc9: {  	(tm) =	ssettm $0x7FFFFFFF  }
tec
execute0_lowered:
.L_overlay_start_1:
0x0: {  	(tag) =	ssettag $0x1  }
0x1: {  	v2 =	vlaneseq.u32;
	v1 =	vimm.s32 $0xEFCDAB89;
	v5 =	vimm.s32 $0xDCFE98BA  }
0x2: {  	s0 =	srdreg.scid;
	s4 =	rddreg [dreg:$0x0];
	v6 =	vimm.s32 $0x54761032;
	v7 =	vimm.s32 $0xBA98FEDC;
	v8 =	vimm.s32 $0x32107654  }
0x3: {  	s8 =	rddreg [dreg:$0x1];
	s13 =	stileid.u32;
	vm0 =	vcmask $0x2B20;
	vm1 =	vcmask $0xB00;
	vm2 =	vcmask $0x300  }
0x4: {  	s1 =	rddreg [dreg:$0x2];
	s2 =	simm.s32 $0x0;
	s12 =	simm.s32 $0xC400;
	v0 =	vshrl.u32 v2, $0x3;
	v3 =	vunpack.c.l.s4.s8 v1;
	v2 =	vand.u32 $0x7, v2  }
0x5: {  	s14 =	simm.s32 $0x13260;
	s15 =	simm.s32 $0x13460;
	s6 =	sand.u32 $0x1, s0;
	v5 =	vunpack.c.l.s4.s8 v5;
	v6 =	vunpack.c.l.s4.s8 v6;
	v7 =	vunpack.c.l.s4.s8 v7  }
0x6: {  	s16 =	simm.s32 $0x0;
	[smem:$0x7FF] =	sst s2;
	v8 =	vunpack.c.l.s4.s8 v8;
	vm0 =	vmor vm1, vm0;
	vm1 =	vcmask $0x2320;
	s0 =	sshll.u32 s6, $0x4  }
0x7: {  	s10 =	sshll.u32 s13, $0x5;
	p0 =	sne.s32 s13, $0x0;
	v1 =	vmul.u32 $0x8, v0;
	v4 =	vunpack.c.0.s8.s32 v3;
	v3 =	vimm.s32 $0x67452301;
	s3 =	sor.u32 s13, s0  }
0x8: {  	s9 =	ssub.s32 $0x2, s6;
	s11 =	sshll.u32 s6, $0x2;
	vm1 =	vmor vm2, vm1;
	v10 =	vor.u32 $0x8, v0;
	v3 =	vunpack.c.l.s4.s8 v3;
	s5 =	smul.u32 $0x6200, s3  }
0x9: {  	v11 =	vor.u32 $0xA, v0;
	s0 =	rddreg [dreg:$0x3];
	v5 =	vunpack.c.0.s8.s32 v5;
	v6 =	vunpack.c.0.s8.s32 v6;
	_ =	strace $0x8000004A;
	s7 =	smul.u32 $0x188, s3  }
.Ltmp0:
0xa: {  	s31 =	sshrl.u32 s9, $0x1;
	v7 =	vunpack.c.0.s8.s32 v7;
	v8 =	vunpack.c.0.s8.s32 v8;
	s8 =	sadd.s32 s8, s11;
	v9 =	vunpack.c.0.s8.s32 v3;
	(pc) =	sbr.rel .LBB2_1-.Ltmp0, $4  }
0xb: {  	v12 =	vor.u32 $0xC, v0;
	v13 =	vor.u32 $0xE, v0;
	s11 =	simm.s32 $0x6200;
	s13 =	simm.s32 $0x13240;
	s9 =	ssub.s32 s9, s31;
	v5 =	vcombine.low v6, v5  }
0xc: {  	v6 =	vcombine.low v8, v7;
	s9 =	smax.u32 s9, $0x1;
	v7 =	vor.u32 $0x2, v0;
	s30 =	sshrl.u32 s5, $0x3;
	s7 =	sadd.s32 s7, s4;
	v4 =	vcombine.low v9, v4  }
0xd: {  	v8 =	vor.u32 $0x4, v0;
	v3 =	vor.u32 $0x3, v1;
	s3 =	sadd.s32 s4, s30;
	s6 =	sadd.s32 $0x51400, s7;
	s7 =	sadd.s32 s10, s1;
	v5 =	vand.u32 $0xF, v5  }
0xe: {  	s10 =	simm.s32 $0x1;
	v6 =	vand.u32 $0xF, v6;
	s4 =	sadd.s32 $0x20400, s3;
	s5 =	sadd.s32 $0x38C00, s3;
	v9 =	vor.u32 $0x6, v0;
	v4 =	vand.u32 $0xF, v4  }
.LBB2_5:
0xf: {  	s16 =	sadd.s32 $0x1, s16  }
0x10: {  	p1 =	sne.s32 s16, s9  }
.Ltmp1:
0x11: {  	_ = 	snop;
	(pc) =	sbr.rel @!p1 .LBB2_6-.Ltmp1, $1  }
0x12: {  	_ =	sdelay $0x3  }
.LBB2_1:
0x13: {  	[tilespmem:s2], [sflag:$0x1] =	stream.linear.gather [hbm4b:s4+s2], $0x6200, $0x38;
	[tilespmem:$0x134A0] =	vst v63  }
0x14: {  	_ =	swait.ge [sflag:s10], $0x6200  }
0x15: {  	[sflag:s10] =	ssyncset.done $0x0  }
0x16: {  	[sflag:s10] =	ssyncadd.s32 $0xFFFF9E00  }
0x17: {  	[tilespmem:s11], [sflag:$0x1] =	stream.linear.gather [hbm4b:s5+s2], $0x6200, $0x38;
	[tilespmem:$0x134A0] =	vst v63  }
0x18: {  	_ =	swait.ge [sflag:s10], $0x6200  }
0x19: {  	[sflag:s10] =	ssyncset.done $0x0  }
0x1a: {  	s17 =	simm.s32 $0xE;
	[sflag:s10] =	ssyncadd.s32 $0xFFFF9E00  }
0x1b: {  	v14 =	vmov s17;
	[tilespmem:s12], [sflag:$0x1] =	stream.linear.gather [hbm4b:s3+s2], $0x6200, $0x38;
	[tilespmem:$0x134A0] =	vst v63  }
0x1c: {  	s25 =	simm.s32 $0xC;
	v14 =	vshll.u32 v14, $0x3;
	_ =	swait.ge [sflag:s10], $0x6200  }
0x1d: {  	v15 =	vmov s25;
	v14 =	vor.u32 v1, v14;
	[sflag:s10] =	ssyncset.done $0x0  }
0x1e: {  	s18 =	simm.s32 $0xA;
	s17 =	simm.s32 $0x12600;
	v15 =	vshll.u32 v15, $0x3;
	v14 =	vor.u32 v2, v14;
	[sflag:s10] =	ssyncadd.s32 $0xFFFF9E00  }
0x1f: {  	v16 =	vmov s18;
	v15 =	vor.u32 v1, v15;
	[tilespmem:s17], [sflag:$0x1] =	stream.linear.gather [hbm4b:s6+s2], $0xC40, $0x38;
	[tilespmem:$0x134A0] =	vst v63  }
0x20: {  	s26 =	simm.s32 $0x8;
	v16 =	vshll.u32 v16, $0x3;
	v15 =	vor.u32 v2, v15;
	_ =	swait.ge [sflag:s10], $0xC40  }
0x21: {  	v17 =	vmov s26;
	v16 =	vor.u32 v1, v16;
	[sflag:s10] =	ssyncset.done $0x0  }
0x22: {  	s28 =	simm.s32 $0x6;
	v17 =	vshll.u32 v17, $0x3;
	v16 =	vor.u32 v2, v16;
	[sflag:s10] =	ssyncadd.s32 $0xFFFFF3C0  }
0x23: {  	v18 =	vmov s28;
	v17 =	vor.u32 v1, v17;
	v20 =	vld.idx.msk [tilespmem:v14+s2+$0x0], $0xffff  }
0x24: {  	s29 =	simm.s32 $0x2;
	v18 =	vshll.u32 v18, $0x3;
	v17 =	vor.u32 v2, v17;
	v21 =	vld.idx.msk [tilespmem:v14+s11+$0x0], $0xffff  }
0x25: {  	v19 =	vmov s29;
	v18 =	vor.u32 v1, v18;
	v22 =	vld.idx.msk [tilespmem:v15+s2+$0x0], $0xffff  }
0x26: {  	s30 =	simm.s32 $0x4;
	v19 =	vshll.u32 v19, $0x3;
	v18 =	vor.u32 v2, v18;
	v23 =	vld.idx.msk [tilespmem:v15+s11+$0x0], $0xffff  }
0x27: {  	v24 =	vmov s30;
	v19 =	vor.u32 v1, v19;
	v25 =	vld.idx.msk [tilespmem:v16+s2+$0x0], $0xffff  }
0x28: {  	s31 =	simm.s32 $0x0;
	v24 =	vshll.u32 v24, $0x3;
	v40 =	vor.u32 v2, v19;
	v26 =	vld.idx.msk [tilespmem:v16+s11+$0x0], $0xffff  }
0x29: {  	v19 =	vor.u32 v1, v24;
	v24 =	vmov s31;
	v27 =	vld.idx.msk [tilespmem:v17+s2+$0x0], $0xffff  }
0x2a: {  	v39 =	vor.u32 v2, v19;
	v19 =	vshll.u32 v24, $0x3;
	v24 =	vld.idx.msk [tilespmem:v17+s11+$0x0], $0xffff  }
0x2b: {  	v19 =	vor.u32 v1, v19;
	v29 =	vld.idx.msk [tilespmem:v18+s2+$0x0], $0xffff  }
0x2c: {  	v19 =	vor.u32 v2, v19;
	v31 =	vld.idx.msk [tilespmem:v18+s11+$0x0], $0xffff  }
0x2d: {  	v32 =	vld.idx.msk [tilespmem:v40+s2+$0x0], $0xffff  }
0x2e: {  	v33 =	vld.idx.msk [tilespmem:v40+s11+$0x0], $0xffff  }
0x2f: {  	v34 =	vld.idx.msk [tilespmem:v39+s2+$0x0], $0xffff  }
0x30: {  	v28 =	vadd.f32 v21, v20;
	v20 =	vld.idx.msk [tilespmem:v39+s11+$0x0], $0xffff;
	v30 =	vadd.f32 v23, v22  }
0x31: {  	v23 =	vld.idx.msk [tilespmem:v19+s2+$0x0], $0xffff;
	v22 =	vadd.f32 v26, v25;
	v21 =	vadd.f32 v31, v29  }
0x32: {  	v26 =	vld.idx.msk [tilespmem:v19+s11+$0x0], $0xffff;
	v31 =	vadd.f32 v24, v27;
	v25 =	vperm.xlane v28, v3;
	v24 =	vperm.xlane v30, v3  }
0x33: {  	v27 =	vadd.f32 v33, v32;
	v29 =	vperm.xlane v22, v3  }
0x34: {  	v63 =	vperm.xlane v31, v3;
	v25 =	vmax.f32 v25, $1.000000000e+00;
	v24 =	vmax.f32 v24, $1.000000000e+00  }
0x35: {  	(erf) = vrcp.f32 v25;
	v32 =	vadd.f32 v20, v34;
	v20 =	vmax.f32 v29, $1.000000000e+00  }
0x36: {  	v25 =	vmax.f32 v63, $1.000000000e+00;
	(erf) = vrcp.f32 v24;
	v24 =	vperm.xlane v21, v3  }
0x37: {  	v29 =	vadd.f32 v26, v23;
	(erf) = vrcp.f32 v20;
	v20 =	vperm.xlane v32, v3  }
0x38: {  	v23 =	vperm.xlane v27, v3;
	(erf) = vrcp.f32 v25;
	v24 =	vmax.f32 v24, $1.000000000e+00  }
0x39: {  	v26 =	vld [tilespmem:s17+$0x0];
	v25 =	vperm.xlane v29, v3;
	v20 =	vmax.f32 v20, $1.000000000e+00;
	(erf) = vrcp.f32 v24  }
0x3a: {  	v23 =	vmax.f32 v23, $1.000000000e+00;
	(erf) = vrcp.f32 v20  }
0x3b: {  	v34 =	vld.idx.msk [tilespmem:v14+s12+$0x0], $0xffff;
	v14 =	vmax.f32 v25, $1.000000000e+00;
	(erf) = vrcp.f32 v23  }
0x3c: {  	v37 =	vld.idx.msk [tilespmem:v15+s12+$0x0], $0xffff;
	(erf) = vrcp.f32 v14  }
0x3d: {  	v35 =	vld.idx.msk [tilespmem:v16+s12+$0x0], $0xffff  }
0x3e: {  	v36 =	vld.idx.msk [tilespmem:v17+s12+$0x0], $0xffff;
	v17 =	vperm.xlane v26, v12;
	v16 =	vperm.xlane v26, v13;
	v33 =	vpop (erf)  }
0x3f: {  	v38 =	vld.idx.msk [tilespmem:v18+s12+$0x0], $0xffff;
	v18 =	vperm.xlane v26, v10;
	v20 =	vperm.xlane v26, v11;
	v42 =	vpop (erf)  }
0x40: {  	v40 =	vld.idx.msk [tilespmem:v40+s12+$0x0], $0xffff;
	v15 =	vimm.f32 $0.0e+00;
	v24 =	vperm.xlane v26, v9;
	v25 =	vperm.xlane v26, v0;
	v41 =	vpop (erf)  }
0x41: {  	s18 =	simm.s32 $0x1E;
	v39 =	vld.idx.msk [tilespmem:v39+s12+$0x0], $0xffff;
	v23 =	vperm.xlane v26, v8;
	v26 =	vperm.xlane v26, v7;
	v14 =	vimm.f32 $0.0e+00;
	v43 =	vpop (erf)  }
.LBB2_2:
0x42: {  	p1 =	sne.s32 s18, $0xC3E;
	v19 =	vld.idx.msk [tilespmem:v19+s12+$0x0], $0xffff;
	v30 =	vmul.f32 v42, v30;
	v28 =	vmul.f32 v33, v28;
	v42 =	vpop (erf)  }
0x43: {  	v33 =	vmov s18;
	v31 =	vmul.f32 v43, v31;
	v22 =	vmul.f32 v41, v22;
	v41 =	vpop (erf)  }
0x44: {  	v33 =	vshll.u32 v33, $0x3;
	v21 =	vmul.f32 v42, v21;
	v32 =	vmul.f32 v41, v32;
	v41 =	vpop (erf)  }
0x45: {  	v30 =	vsub.f32 v30, v37;
	v28 =	vsub.f32 v28, v34;
	v27 =	vmul.f32 v41, v27;
	v34 =	vpop (erf)  }
0x46: {  	v31 =	vsub.f32 v31, v36;
	v22 =	vsub.f32 v22, v35;
	v29 =	vmul.f32 v34, v29  }
0x47: {  	v21 =	vsub.f32 v21, v38;
	v32 =	vsub.f32 v32, v39;
	v28 =	vnsel vm0, $0x0, v28  }
0x48: {  	v27 =	vsub.f32 v27, v40;
	v28 =	vmul.f32 v28, v28;
	v19 =	vsub.f32 v29, v19  }
0x49: {  	v22 =	vnsel vm0, $0x0, v22;
	v30 =	vnsel vm0, $0x0, v30;
	v29 =	vnsel vm0, $0x0, v31  }
0x4a: {  	v21 =	vnsel vm0, $0x0, v21;
	v30 =	vmul.f32 v30, v30;
	v31 =	vnsel vm0, $0x0, v32  }
0x4b: {  	v22 =	vmul.f32 v22, v22;
	v27 =	vnsel vm0, $0x0, v27;
	v29 =	vmul.f32 v29, v29  }
0x4c: {  	s19 =	sadd.s32 $0xFFFFFFFE, s18;
	v21 =	vmul.f32 v21, v21;
	v31 =	vmul.f32 v31, v31;
	v19 =	vnsel vm0, $0x0, v19  }
0x4d: {  	s20 =	sadd.s32 $0xFFFFFFFC, s18;
	v44 =	vmov s19;
	v27 =	vmul.f32 v27, v27;
	v19 =	vmul.f32 v19, v19  }
0x4e: {  	s19 =	sadd.s32 $0xFFFFFFFA, s18;
	v45 =	vmov s20;
	v32 =	vperm.xlane v30, v4;
	v34 =	vperm.xlane v28, v4  }
0x4f: {  	v46 =	vmov s19;
	v36 =	vperm.xlane v22, v4;
	v35 =	vperm.xlane v29, v4  }
0x50: {  	v38 =	vperm.xlane v21, v4;
	v37 =	vperm.xlane v31, v4;
	v28 =	vadd.f32 v28, v34  }
0x51: {  	v22 =	vadd.f32 v22, v36;
	v30 =	vadd.f32 v30, v32;
	v34 =	vperm.xlane v27, v4  }
0x52: {  	v21 =	vadd.f32 v21, v38;
	v32 =	vperm.xlane v19, v4;
	v29 =	vadd.f32 v29, v35  }
0x53: {  	v31 =	vadd.f32 v31, v37;
	v35 =	vperm.xlane v30, v5;
	v36 =	vperm.xlane v28, v5  }
0x54: {  	v37 =	vperm.xlane v22, v5;
	v27 =	vadd.f32 v27, v34;
	v34 =	vperm.xlane v29, v5  }
0x55: {  	v38 =	vperm.xlane v21, v5;
	v19 =	vadd.f32 v19, v32;
	v32 =	vperm.xlane v31, v5  }
0x56: {  	v30 =	vadd.f32 v30, v35;
	v28 =	vadd.f32 v28, v36;
	v39 =	vperm.xlane v27, v5  }
0x57: {  	v35 =	vperm.xlane v19, v5;
	v29 =	vadd.f32 v29, v34;
	v34 =	vadd.f32 v22, v37  }
0x58: {  	v21 =	vadd.f32 v21, v38;
	v31 =	vadd.f32 v31, v32;
	v32 =	vperm.xlane v28, v6  }
0x59: {  	v22 =	vperm.xlane v30, v6;
	v36 =	vadd.f32 v27, v39;
	v27 =	vperm.xlane v34, v6  }
0x5a: {  	v37 =	vperm.xlane v21, v6;
	v35 =	vadd.f32 v19, v35;
	v38 =	vperm.xlane v29, v6  }
0x5b: {  	v39 =	vperm.xlane v31, v6;
	v22 =	vadd.f32 v30, v22;
	v19 =	vadd.f32 v28, v32  }
0x5c: {  	v32 =	vperm.xlane v36, v6;
	v28 =	vadd.f32 v29, v38;
	v27 =	vadd.f32 v34, v27  }
0x5d: {  	v34 =	vperm.xlane v35, v6;
	v30 =	vadd.f32 v31, v39;
	v29 =	vadd.f32 v21, v37  }
0x5e: {  	v21 =	vmul.f32 v22, v17;
	v37 =	vmul.f32 $5.000000000e-01, v19;
	v31 =	vadd.f32 v36, v32  }
0x5f: {  	v32 =	vadd.f32 v35, v34;
	v36 =	vmul.f32 v28, v18;
	v20 =	vmul.f32 v27, v20  }
0x60: {  	v17 =	vshrl.u32 v19, $0x1;
	v34 =	vmul.f32 v30, v23;
	v35 =	vmul.f32 v29, v24  }
0x61: {  	v17 =	vsub.s32 $0x5F3759DF, v17;
	v26 =	vmul.f32 v31, v26;
	v25 =	vmul.f32 v32, v25  }
0x62: {  	v42 =	vmul.f32 $5.000000000e-01, v22;
	v18 =	vshrl.u32 v27, $0x1;
	v23 =	vshrl.u32 v22, $0x1  }
0x63: {  	v24 =	vshrl.u32 v28, $0x1;
	v38 =	vmul.f32 $5.000000000e-01, v28;
	v41 =	vmul.f32 $5.000000000e-01, v27  }
0x64: {  	v47 =	vshrl.u32 v30, $0x1;
	v48 =	vshrl.u32 v29, $0x1;
	v43 =	vmul.f32 $5.000000000e-01, v29  }
0x65: {  	v39 =	vmul.f32 $5.000000000e-01, v30;
	v49 =	vshrl.u32 v31, $0x1;
	v40 =	vmul.f32 $5.000000000e-01, v31  }
0x66: {  	v52 =	vmul.f32 v17, v37;
	v50 =	vshrl.u32 v32, $0x1;
	v51 =	vmul.f32 $5.000000000e-01, v32  }
0x67: {  	v53 =	vsub.s32 $0x5F3759DF, v24;
	v18 =	vsub.s32 $0x5F3759DF, v18;
	v54 =	vsub.s32 $0x5F3759DF, v23  }
0x68: {  	v47 =	vsub.s32 $0x5F3759DF, v47;
	v48 =	vsub.s32 $0x5F3759DF, v48;
	v23 =	vmul.f32 v54, v42  }
0x69: {  	v49 =	vsub.s32 $0x5F3759DF, v49;
	v55 =	vmul.f32 v53, v38;
	v56 =	vmul.f32 v18, v41  }
0x6a: {  	v57 =	vmul.f32 v47, v39;
	v58 =	vmul.f32 v48, v43;
	v50 =	vsub.s32 $0x5F3759DF, v50  }
0x6b: {  	v33 =	vor.u32 v1, v33;
	v60 =	vmul.f32 v49, v40;
	v59 =	vmul.f32 v50, v51  }
0x6c: {  	v44 =	vshll.u32 v44, $0x3;
	v52 =	vmul.f32 v17, v52;
	v61 =	vmul.f32 v54, v23  }
0x6d: {  	v24 =	vshll.u32 v45, $0x3;
	v45 =	vmul.f32 v53, v55;
	v55 =	vmul.f32 v18, v56  }
0x6e: {  	v23 =	vshll.u32 v46, $0x3;
	v46 =	vmul.f32 v47, v57;
	v56 =	vmul.f32 v48, v58  }
0x6f: {  	v52 =	vsub.f32 $1.500000000e+00, v52;
	v57 =	vmul.f32 v49, v60;
	v58 =	vsub.f32 $1.500000000e+00, v61  }
0x70: {  	v59 =	vmul.f32 v50, v59;
	v45 =	vsub.f32 $1.500000000e+00, v45;
	v55 =	vsub.f32 $1.500000000e+00, v55  }
0x71: {  	v46 =	vsub.f32 $1.500000000e+00, v46;
	v56 =	vsub.f32 $1.500000000e+00, v56;
	v52 =	vmul.f32 v17, v52  }
0x72: {  	v57 =	vsub.f32 $1.500000000e+00, v57;
	v55 =	vmul.f32 v18, v55;
	v54 =	vmul.f32 v54, v58  }
0x73: {  	v18 =	vsub.f32 $1.500000000e+00, v59;
	v48 =	vmul.f32 v48, v56;
	v45 =	vmul.f32 v53, v45  }
0x74: {  	v17 =	vor.u32 v2, v33;
	v46 =	vmul.f32 v47, v46;
	v33 =	vmul.f32 v49, v57  }
0x75: {  	v44 =	vor.u32 v1, v44;
	v49 =	vmul.f32 v52, v37;
	v47 =	vmul.f32 v50, v18  }
0x76: {  	v18 =	vor.u32 v2, v44;
	v44 =	vmul.f32 v55, v41;
	v50 =	vmul.f32 v54, v42  }
0x77: {  	vm2 =	vgt.f32 v19, $0.0e+00;
	v53 =	vmul.f32 v48, v43;
	v56 =	vmul.f32 v45, v38  }
0x78: {  	vm3 =	vgt.f32 v22, $0.0e+00;
	v58 =	vmul.f32 v46, v39;
	v57 =	vmul.f32 v33, v40  }
0x79: {  	vm4 =	vgt.f32 v27, $0.0e+00;
	v49 =	vmul.f32 v49, v52;
	v59 =	vmul.f32 v47, v51  }
0x7a: {  	vm5 =	vgt.f32 v28, $0.0e+00;
	v44 =	vmul.f32 v44, v55;
	v50 =	vmul.f32 v50, v54  }
0x7b: {  	vm6 =	vgt.f32 v29, $0.0e+00;
	v53 =	vmul.f32 v53, v48;
	v56 =	vmul.f32 v56, v45  }
0x7c: {  	v58 =	vmul.f32 v58, v46;
	v49 =	vsub.f32 $1.500000000e+00, v49;
	v50 =	vsub.f32 $1.500000000e+00, v50  }
0x7d: {  	v57 =	vmul.f32 v57, v33;
	v56 =	vsub.f32 $1.500000000e+00, v56;
	v44 =	vsub.f32 $1.500000000e+00, v44  }
0x7e: {  	v59 =	vmul.f32 v59, v47;
	v58 =	vsub.f32 $1.500000000e+00, v58;
	v53 =	vsub.f32 $1.500000000e+00, v53  }
0x7f: {  	v57 =	vsub.f32 $1.500000000e+00, v57;
	v49 =	vmul.f32 v49, v52;
	v50 =	vmul.f32 v50, v54  }
0x80: {  	v52 =	vsub.f32 $1.500000000e+00, v59;
	v45 =	vmul.f32 v56, v45;
	v44 =	vmul.f32 v44, v55  }
0x81: {  	vm7 =	vgt.f32 v30, $0.0e+00;
	v46 =	vmul.f32 v58, v46;
	v48 =	vmul.f32 v53, v48  }
0x82: {  	vm8 =	vgt.f32 v31, $0.0e+00;
	v33 =	vmul.f32 v57, v33;
	v47 =	vmul.f32 v52, v47  }
0x83: {  	vm9 =	vgt.f32 v32, $0.0e+00;
	v37 =	vmul.f32 v49, v37;
	v42 =	vmul.f32 v50, v42  }
0x84: {  	v36 =	vnsel vm1, $0x0, v36;
	v41 =	vmul.f32 v44, v41;
	v51 =	vmul.f32 v47, v51  }
0x85: {  	v35 =	vnsel vm1, $0x0, v35;
	v43 =	vmul.f32 v48, v43;
	v38 =	vmul.f32 v45, v38  }
0x86: {  	v34 =	vnsel vm1, $0x0, v34;
	v40 =	vmul.f32 v33, v40;
	v51 =	vmul.f32 v51, v47  }
0x87: {  	v26 =	vnsel vm1, $0x0, v26;
	v39 =	vmul.f32 v46, v39;
	v37 =	vmul.f32 v37, v49  }
0x88: {  	v42 =	vmul.f32 v42, v50;
	v40 =	vmul.f32 v40, v33;
	v51 =	vsub.f32 $1.500000000e+00, v51  }
0x89: {  	v25 =	vnsel vm1, $0x0, v25;
	v39 =	vmul.f32 v39, v46;
	v41 =	vmul.f32 v41, v44  }
0x8a: {  	v38 =	vmul.f32 v38, v45;
	v40 =	vsub.f32 $1.500000000e+00, v40;
	v47 =	vmul.f32 v51, v47  }
0x8b: {  	v43 =	vmul.f32 v43, v48;
	v37 =	vsub.f32 $1.500000000e+00, v37;
	v39 =	vsub.f32 $1.500000000e+00, v39  }
0x8c: {  	v33 =	vmul.f32 v40, v33;
	v40 =	vsub.f32 $1.500000000e+00, v42;
	v32 =	vmul.f32 v47, v32  }
0x8d: {  	v41 =	vsub.f32 $1.500000000e+00, v41;
	v39 =	vmul.f32 v39, v46;
	v42 =	vsub.f32 $1.500000000e+00, v43  }
0x8e: {  	v31 =	vmul.f32 v33, v31;
	v33 =	vsub.f32 $1.500000000e+00, v38;
	v32 =	vnsel vm9, $0x0, v32  }
0x8f: {  	v30 =	vmul.f32 v39, v30;
	v38 =	vmul.f32 v42, v48;
	v32 =	vnsel vm1, $0x0, v32  }
0x90: {  	v15 =	vadd.f32 v25, v15;
	v25 =	vnsel vm8, $0x0, v31;
	v14 =	vadd.f32 v32, v14  }
0x91: {  	v29 =	vmul.f32 v38, v29;
	v31 =	vmul.f32 v33, v45;
	v25 =	vnsel vm1, $0x0, v25  }
0x92: {  	v15 =	vadd.f32 v26, v15;
	v14 =	vadd.f32 v25, v14;
	v25 =	vnsel vm7, $0x0, v30  }
0x93: {  	v26 =	vmul.f32 v31, v28;
	v28 =	vmul.f32 v41, v44;
	v25 =	vnsel vm1, $0x0, v25  }
0x94: {  	v15 =	vadd.f32 v34, v15;
	v14 =	vadd.f32 v25, v14;
	v25 =	vnsel vm6, $0x0, v29  }
0x95: {  	v27 =	vmul.f32 v28, v27;
	v28 =	vmul.f32 v40, v50;
	v25 =	vnsel vm1, $0x0, v25  }
0x96: {  	v15 =	vadd.f32 v35, v15;
	v14 =	vadd.f32 v25, v14;
	v25 =	vnsel vm5, $0x0, v26  }
0x97: {  	v22 =	vmul.f32 v28, v22;
	v26 =	vmul.f32 v37, v49;
	v25 =	vnsel vm1, $0x0, v25  }
0x98: {  	v15 =	vadd.f32 v36, v15;
	v14 =	vadd.f32 v25, v14;
	v25 =	vnsel vm4, $0x0, v27  }
0x99: {  	v20 =	vnsel vm1, $0x0, v20;
	v26 =	vmul.f32 v26, v19;
	v25 =	vnsel vm1, $0x0, v25  }
0x9a: {  	v15 =	vadd.f32 v20, v15;
	v20 =	vnsel vm3, $0x0, v22;
	v14 =	vadd.f32 v25, v14  }
0x9b: {  	v16 =	vmul.f32 v19, v16;
	v21 =	vnsel vm1, $0x0, v21;
	v20 =	vnsel vm1, $0x0, v20  }
0x9c: {  	v15 =	vadd.f32 v21, v15;
	v19 =	vnsel vm2, $0x0, v26;
	v14 =	vadd.f32 v20, v14  }
0x9d: {  	v16 =	vnsel vm1, $0x0, v16;
	v19 =	vnsel vm1, $0x0, v19;
	v20 =	vor.u32 v1, v24  }
0x9e: {  	s19 =	sadd.s32 $0xFFFFFFF8, s18;
	v15 =	vadd.f32 v16, v15;
	v20 =	vor.u32 v2, v20;
	v14 =	vadd.f32 v19, v14  }
0x9f: {  	v16 =	vmov s19;
	v19 =	vor.u32 v1, v23;
	v21 =	vld.idx.msk [tilespmem:v17+s2+$0x0], $0xffff  }
0xa0: {  	s19 =	sadd.s32 $0xFFFFFFF6, s18;
	v16 =	vshll.u32 v16, $0x3;
	v23 =	vor.u32 v2, v19;
	v22 =	vld.idx.msk [tilespmem:v17+s11+$0x0], $0xffff  }
0xa1: {  	v16 =	vor.u32 v1, v16;
	v19 =	vmov s19;
	v24 =	vld.idx.msk [tilespmem:v18+s2+$0x0], $0xffff  }
0xa2: {  	v25 =	vor.u32 v2, v16;
	s19 =	sadd.s32 $0xFFFFFFF4, s18;
	v19 =	vshll.u32 v19, $0x3;
	v16 =	vld.idx.msk [tilespmem:v18+s11+$0x0], $0xffff  }
0xa3: {  	v26 =	vmov s19;
	v19 =	vor.u32 v1, v19;
	v27 =	vld.idx.msk [tilespmem:v20+s2+$0x0], $0xffff  }
0xa4: {  	s19 =	sadd.s32 $0xFFFFFFF2, s18;
	v26 =	vshll.u32 v26, $0x3;
	v39 =	vor.u32 v2, v19;
	v29 =	vld.idx.msk [tilespmem:v20+s11+$0x0], $0xffff  }
0xa5: {  	v19 =	vmov s19;
	v26 =	vor.u32 v1, v26;
	v31 =	vld.idx.msk [tilespmem:v23+s2+$0x0], $0xffff  }
0xa6: {  	v19 =	vshll.u32 v19, $0x3;
	v26 =	vor.u32 v2, v26;
	v32 =	vld.idx.msk [tilespmem:v23+s11+$0x0], $0xffff  }
0xa7: {  	v19 =	vor.u32 v1, v19;
	v33 =	vld.idx.msk [tilespmem:v25+s2+$0x0], $0xffff  }
0xa8: {  	v19 =	vor.u32 v2, v19;
	v34 =	vld.idx.msk [tilespmem:v25+s11+$0x0], $0xffff  }
0xa9: {  	v35 =	vld.idx.msk [tilespmem:v39+s2+$0x0], $0xffff  }
0xaa: {  	v36 =	vld.idx.msk [tilespmem:v39+s11+$0x0], $0xffff  }
0xab: {  	v37 =	vld.idx.msk [tilespmem:v26+s2+$0x0], $0xffff  }
0xac: {  	v38 =	vld.idx.msk [tilespmem:v26+s11+$0x0], $0xffff  }
0xad: {  	v40 =	vld.idx.msk [tilespmem:v19+s2+$0x0], $0xffff  }
0xae: {  	v41 =	vld.idx.msk [tilespmem:v19+s11+$0x0], $0xffff;
	_ =	sdelay $0x1  }
0xaf: {  	v28 =	vadd.f32 v22, v21  }
0xb0: {  	v30 =	vadd.f32 v16, v24;
	v22 =	vadd.f32 v29, v27  }
0xb1: {  	v16 =	vperm.xlane v28, v3;
	v31 =	vadd.f32 v32, v31;
	v21 =	vadd.f32 v34, v33  }
0xb2: {  	v24 =	vperm.xlane v30, v3;
	v32 =	vadd.f32 v36, v35;
	v27 =	vadd.f32 v38, v37  }
0xb3: {  	v16 =	vmax.f32 v16, $1.000000000e+00;
	v33 =	vperm.xlane v22, v3;
	v29 =	vadd.f32 v41, v40  }
0xb4: {  	v24 =	vmax.f32 v24, $1.000000000e+00;
	v34 =	vperm.xlane v31, v3;
	(erf) = vrcp.f32 v16  }
0xb5: {  	v33 =	vmax.f32 v33, $1.000000000e+00;
	v16 =	vperm.xlane v21, v3;
	(erf) = vrcp.f32 v24  }
0xb6: {  	v34 =	vmax.f32 v34, $1.000000000e+00;
	v24 =	vperm.xlane v32, v3;
	(erf) = vrcp.f32 v33  }
0xb7: {  	s17 =	sadd.s32 $0x10, s17;
	v33 =	vperm.xlane v27, v3;
	v16 =	vmax.f32 v16, $1.000000000e+00;
	(erf) = vrcp.f32 v34  }
0xb8: {  	v34 =	vperm.xlane v29, v3;
	v24 =	vmax.f32 v24, $1.000000000e+00;
	v43 =	vld [tilespmem:s17+$0x0];
	(erf) = vrcp.f32 v16  }
0xb9: {  	v16 =	vmax.f32 v33, $1.000000000e+00;
	(erf) = vrcp.f32 v24  }
0xba: {  	v24 =	vmax.f32 v34, $1.000000000e+00;
	v34 =	vld.idx.msk [tilespmem:v17+s12+$0x0], $0xffff;
	(erf) = vrcp.f32 v16  }
0xbb: {  	v37 =	vld.idx.msk [tilespmem:v18+s12+$0x0], $0xffff;
	(erf) = vrcp.f32 v24  }
.Ltmp2:
0xbc: {  	v35 =	vld.idx.msk [tilespmem:v20+s12+$0x0], $0xffff;
	(pc) =	sbr.rel @p1 .LBB2_2-.Ltmp2, $4  }
0xbd: {  	v36 =	vld.idx.msk [tilespmem:v23+s12+$0x0], $0xffff;
	v17 =	vperm.xlane v43, v12;
	v16 =	vperm.xlane v43, v13;
	v33 =	vpop (erf)  }
0xbe: {  	v18 =	vperm.xlane v43, v10;
	v20 =	vperm.xlane v43, v11;
	v38 =	vld.idx.msk [tilespmem:v25+s12+$0x0], $0xffff;
	v42 =	vpop (erf)  }
0xbf: {  	v23 =	vperm.xlane v43, v8;
	v24 =	vperm.xlane v43, v9;
	v39 =	vld.idx.msk [tilespmem:v39+s12+$0x0], $0xffff;
	v41 =	vpop (erf)  }
0xc0: {  	s18 =	sadd.s32 $0x10, s18;
	v25 =	vperm.xlane v43, v0;
	v40 =	vld.idx.msk [tilespmem:v26+s12+$0x0], $0xffff;
	v26 =	vperm.xlane v43, v7;
	v43 =	vpop (erf)  }
0xc1: {  	v30 =	vmul.f32 v42, v30  }
0xc2: {  	v28 =	vmul.f32 v33, v28;
	v49 =	vpop (erf);
	v31 =	vmul.f32 v43, v31  }
0xc3: {  	v22 =	vmul.f32 v41, v22;
	v50 =	vpop (erf);
	v21 =	vmul.f32 v49, v21  }
0xc4: {  	v32 =	vmul.f32 v50, v32;
	v51 =	vpop (erf);
	v30 =	vsub.f32 v30, v37;
	v28 =	vsub.f32 v28, v34  }
0xc5: {  	v19 =	vld.idx.msk [tilespmem:v19+s12+$0x0], $0xffff;
	v31 =	vsub.f32 v31, v36;
	v22 =	vsub.f32 v22, v35;
	v27 =	vmul.f32 v51, v27;
	v52 =	vpop (erf)  }
0xc6: {  	v21 =	vsub.f32 v21, v38;
	v29 =	vmul.f32 v52, v29;
	v32 =	vsub.f32 v32, v39  }
0xc7: {  	v28 =	vnsel vm0, $0x0, v28;
	v53 =	vnsel vm0, $0x0, v31;
	v22 =	vnsel vm0, $0x0, v22  }
0xc8: {  	v30 =	vnsel vm0, $0x0, v30;
	v27 =	vsub.f32 v27, v40;
	v28 =	vmul.f32 v28, v28  }
0xc9: {  	v21 =	vnsel vm0, $0x0, v21;
	v30 =	vmul.f32 v30, v30;
	v22 =	vmul.f32 v22, v22  }
0xca: {  	v19 =	vsub.f32 v29, v19;
	v54 =	vnsel vm0, $0x0, v32;
	v29 =	vmul.f32 v53, v53  }
0xcb: {  	v21 =	vmul.f32 v21, v21;
	v31 =	vmul.f32 v54, v54  }
0xcc: {  	v27 =	vnsel vm0, $0x0, v27;
	v55 =	vperm.xlane v30, v4;
	v56 =	vperm.xlane v28, v4  }
0xcd: {  	v58 =	vperm.xlane v22, v4;
	v27 =	vmul.f32 v27, v27  }
0xce: {  	v19 =	vnsel vm0, $0x0, v19;
	v57 =	vperm.xlane v29, v4;
	v60 =	vperm.xlane v21, v4  }
0xcf: {  	v19 =	vmul.f32 v19, v19;
	v59 =	vperm.xlane v31, v4;
	v28 =	vadd.f32 v28, v56  }
0xd0: {  	v22 =	vadd.f32 v22, v58;
	v30 =	vadd.f32 v30, v55;
	v61 =	vperm.xlane v27, v4  }
0xd1: {  	v21 =	vadd.f32 v21, v60;
	v29 =	vadd.f32 v29, v57;
	v62 =	vperm.xlane v19, v4  }
0xd2: {  	v31 =	vadd.f32 v31, v59;
	v63 =	vperm.xlane v30, v5;
	v40 =	vperm.xlane v28, v5  }
0xd3: {  	v42 =	vperm.xlane v22, v5;
	v27 =	vadd.f32 v27, v61;
	v41 =	vperm.xlane v29, v5  }
0xd4: {  	v37 =	vperm.xlane v21, v5;
	v19 =	vadd.f32 v19, v62;
	v30 =	vadd.f32 v30, v63  }
0xd5: {  	v43 =	vperm.xlane v31, v5;
	v28 =	vadd.f32 v28, v40;
	v22 =	vadd.f32 v22, v42  }
0xd6: {  	v44 =	vperm.xlane v27, v5;
	v29 =	vadd.f32 v29, v41;
	v46 =	vadd.f32 v21, v37  }
0xd7: {  	v45 =	vperm.xlane v19, v5;
	v31 =	vadd.f32 v31, v43;
	v47 =	vperm.xlane v28, v6  }
0xd8: {  	v36 =	vperm.xlane v22, v6;
	v49 =	vperm.xlane v30, v6;
	v48 =	vadd.f32 v27, v44  }
0xd9: {  	v37 =	vperm.xlane v46, v6;
	v50 =	vperm.xlane v29, v6;
	v34 =	vadd.f32 v19, v45  }
0xda: {  	v51 =	vperm.xlane v31, v6;
	v21 =	vadd.f32 v30, v49;
	v19 =	vadd.f32 v28, v47  }
0xdb: {  	v22 =	vadd.f32 v22, v36;
	v52 =	vperm.xlane v48, v6;
	v27 =	vadd.f32 v29, v50  }
0xdc: {  	v28 =	vadd.f32 v46, v37;
	v53 =	vperm.xlane v34, v6;
	v29 =	vadd.f32 v31, v51  }
0xdd: {  	v17 =	vmul.f32 v21, v17;
	v31 =	vmul.f32 $5.000000000e-01, v19;
	v54 =	vshrl.u32 v19, $0x1  }
0xde: {  	v55 =	vshrl.u32 v22, $0x1;
	v56 =	vshrl.u32 v21, $0x1;
	v36 =	vmul.f32 $5.000000000e-01, v21  }
0xdf: {  	v39 =	vmul.f32 $5.000000000e-01, v22;
	vm3 =	vgt.f32 v21, $0.0e+00;
	v16 =	vmul.f32 v19, v16  }
0xe0: {  	v30 =	vadd.f32 v48, v52;
	v33 =	vmul.f32 v27, v18;
	v18 =	vmul.f32 v22, v20  }
0xe1: {  	v57 =	vshrl.u32 v27, $0x1;
	v38 =	vmul.f32 $5.000000000e-01, v27;
	v59 =	vshrl.u32 v28, $0x1  }
0xe2: {  	v42 =	vmul.f32 $5.000000000e-01, v28;
	v35 =	vsub.s32 $0x5F3759DF, v56;
	v32 =	vadd.f32 v34, v53  }
0xe3: {  	v20 =	vmul.f32 v29, v23;
	v23 =	vmul.f32 v28, v24;
	v24 =	vsub.s32 $0x5F3759DF, v54  }
0xe4: {  	v58 =	vshrl.u32 v29, $0x1;
	v45 =	vmul.f32 $5.000000000e-01, v29;
	v37 =	vsub.s32 $0x5F3759DF, v57  }
0xe5: {  	v34 =	vsub.s32 $0x5F3759DF, v55;
	v49 =	vmul.f32 v35, v36;
	v26 =	vmul.f32 v30, v26  }
0xe6: {  	v41 =	vsub.s32 $0x5F3759DF, v59;
	v44 =	vmul.f32 $5.000000000e-01, v30;
	v48 =	vmul.f32 v24, v31  }
0xe7: {  	v60 =	vshrl.u32 v30, $0x1;
	v50 =	vmul.f32 v37, v38;
	v51 =	vmul.f32 v34, v39  }
0xe8: {  	v40 =	vsub.s32 $0x5F3759DF, v58;
	v53 =	vmul.f32 v41, v42;
	v25 =	vmul.f32 v32, v25  }
0xe9: {  	v47 =	vmul.f32 $5.000000000e-01, v32;
	v43 =	vsub.s32 $0x5F3759DF, v60;
	v52 =	vmul.f32 v40, v45  }
0xea: {  	vm4 =	vgt.f32 v22, $0.0e+00;
	v49 =	vmul.f32 v35, v49;
	v55 =	vmul.f32 v43, v44  }
0xeb: {  	v46 =	vshrl.u32 v32, $0x1;
	v48 =	vmul.f32 v24, v48;
	v50 =	vmul.f32 v37, v50  }
0xec: {  	v46 =	vsub.s32 $0x5F3759DF, v46;
	v51 =	vmul.f32 v34, v51;
	v53 =	vmul.f32 v41, v53  }
0xed: {  	v54 =	vmul.f32 v46, v47;
	v52 =	vmul.f32 v40, v52;
	v49 =	vsub.f32 $1.500000000e+00, v49  }
0xee: {  	v55 =	vmul.f32 v43, v55;
	v48 =	vsub.f32 $1.500000000e+00, v48;
	v50 =	vsub.f32 $1.500000000e+00, v50  }
0xef: {  	v51 =	vsub.f32 $1.500000000e+00, v51;
	v53 =	vsub.f32 $1.500000000e+00, v53;
	v54 =	vmul.f32 v46, v54  }
0xf0: {  	v52 =	vsub.f32 $1.500000000e+00, v52;
	v35 =	vmul.f32 v35, v49;
	v24 =	vmul.f32 v24, v48  }
0xf1: {  	v61 =	vsub.f32 $1.500000000e+00, v55;
	v34 =	vmul.f32 v34, v51;
	v41 =	vmul.f32 v41, v53  }
0xf2: {  	vm5 =	vgt.f32 v27, $0.0e+00;
	v37 =	vmul.f32 v37, v50;
	v40 =	vmul.f32 v40, v52  }
0xf3: {  	vm6 =	vgt.f32 v28, $0.0e+00;
	v57 =	vmul.f32 v35, v36;
	v43 =	vmul.f32 v43, v61  }
0xf4: {  	v62 =	vsub.f32 $1.500000000e+00, v54;
	v48 =	vmul.f32 v24, v31;
	v63 =	vmul.f32 v34, v39  }
0xf5: {  	vm7 =	vgt.f32 v29, $0.0e+00;
	v58 =	vmul.f32 v41, v42;
	v59 =	vmul.f32 v37, v38  }
0xf6: {  	vm8 =	vgt.f32 v30, $0.0e+00;
	v46 =	vmul.f32 v46, v62;
	v61 =	vmul.f32 v40, v45  }
0xf7: {  	v33 =	vnsel vm1, $0x0, v33;
	v50 =	vmul.f32 v57, v35;
	v60 =	vmul.f32 v43, v44  }
0xf8: {  	v18 =	vnsel vm1, $0x0, v18;
	v48 =	vmul.f32 v48, v24;
	v49 =	vmul.f32 v63, v34  }
0xf9: {  	vm9 =	vgt.f32 v32, $0.0e+00;
	v52 =	vmul.f32 v59, v37;
	v62 =	vmul.f32 v46, v47  }
0xfa: {  	v51 =	vmul.f32 v58, v41;
	v54 =	vmul.f32 v61, v40;
	v50 =	vsub.f32 $1.500000000e+00, v50  }
0xfb: {  	v48 =	vsub.f32 $1.500000000e+00, v48;
	v52 =	vsub.f32 $1.500000000e+00, v52;
	v55 =	vmul.f32 v62, v46  }
0xfc: {  	v53 =	vmul.f32 v60, v43;
	v49 =	vsub.f32 $1.500000000e+00, v49;
	v51 =	vsub.f32 $1.500000000e+00, v51  }
0xfd: {  	v35 =	vmul.f32 v50, v35;
	v24 =	vmul.f32 v48, v24;
	v63 =	vsub.f32 $1.500000000e+00, v55  }
0xfe: {  	v54 =	vsub.f32 $1.500000000e+00, v54;
	v37 =	vmul.f32 v52, v37;
	v34 =	vmul.f32 v49, v34  }
0xff: {  	v53 =	vsub.f32 $1.500000000e+00, v53;
	v41 =	vmul.f32 v51, v41;
	v46 =	vmul.f32 v63, v46  }
0x100: {  	v20 =	vnsel vm1, $0x0, v20;
	v40 =	vmul.f32 v54, v40;
	v36 =	vmul.f32 v35, v36  }
0x101: {  	v25 =	vnsel vm1, $0x0, v25;
	v43 =	vmul.f32 v53, v43;
	v47 =	vmul.f32 v46, v47  }
0x102: {  	v15 =	vadd.f32 v25, v15;
	v31 =	vmul.f32 v24, v31;
	v39 =	vmul.f32 v34, v39  }
0x103: {  	v26 =	vnsel vm1, $0x0, v26;
	v44 =	vmul.f32 v43, v44;
	v47 =	vmul.f32 v47, v46  }
0x104: {  	v15 =	vadd.f32 v26, v15;
	v42 =	vmul.f32 v41, v42;
	v45 =	vmul.f32 v40, v45  }
0x105: {  	v38 =	vmul.f32 v37, v38;
	v44 =	vmul.f32 v44, v43;
	v47 =	vsub.f32 $1.500000000e+00, v47  }
0x106: {  	v15 =	vadd.f32 v20, v15;
	v36 =	vmul.f32 v36, v35;
	v45 =	vmul.f32 v45, v40  }
0x107: {  	v31 =	vmul.f32 v31, v24;
	v44 =	vsub.f32 $1.500000000e+00, v44;
	v46 =	vmul.f32 v47, v46  }
0x108: {  	v39 =	vmul.f32 v39, v34;
	v42 =	vmul.f32 v42, v41;
	v45 =	vsub.f32 $1.500000000e+00, v45  }
0x109: {  	v23 =	vnsel vm1, $0x0, v23;
	v43 =	vmul.f32 v44, v43;
	v32 =	vmul.f32 v46, v32  }
0x10a: {  	v15 =	vadd.f32 v23, v15;
	v38 =	vmul.f32 v38, v37;
	v40 =	vmul.f32 v45, v40  }
0x10b: {  	v42 =	vsub.f32 $1.500000000e+00, v42;
	v30 =	vmul.f32 v43, v30;
	v32 =	vnsel vm9, $0x0, v32  }
0x10c: {  	v38 =	vsub.f32 $1.500000000e+00, v38;
	v29 =	vmul.f32 v40, v29;
	v32 =	vnsel vm1, $0x0, v32  }
0x10d: {  	v47 =	vmul.f32 v42, v41;
	v30 =	vnsel vm8, $0x0, v30;
	v14 =	vadd.f32 v32, v14  }
0x10e: {  	v39 =	vsub.f32 $1.500000000e+00, v39;
	v49 =	vmul.f32 v38, v37;
	v48 =	vnsel vm1, $0x0, v30  }
0x10f: {  	v28 =	vmul.f32 v47, v28;
	v50 =	vnsel vm7, $0x0, v29;
	v14 =	vadd.f32 v48, v14  }
0x110: {  	v36 =	vsub.f32 $1.500000000e+00, v36;
	v52 =	vmul.f32 v39, v34;
	v25 =	vnsel vm1, $0x0, v50  }
0x111: {  	v51 =	vmul.f32 v49, v27;
	v53 =	vnsel vm6, $0x0, v28;
	v14 =	vadd.f32 v25, v14  }
0x112: {  	v31 =	vsub.f32 $1.500000000e+00, v31;
	v55 =	vmul.f32 v36, v35;
	v54 =	vnsel vm1, $0x0, v53  }
0x113: {  	v22 =	vmul.f32 v52, v22;
	v56 =	vnsel vm5, $0x0, v51;
	v14 =	vadd.f32 v54, v14  }
0x114: {  	v15 =	vadd.f32 v33, v15;
	v57 =	vmul.f32 v31, v24;
	v20 =	vnsel vm1, $0x0, v56  }
0x115: {  	v21 =	vmul.f32 v55, v21;
	v58 =	vnsel vm4, $0x0, v22;
	v14 =	vadd.f32 v20, v14  }
0x116: {  	v17 =	vnsel vm1, $0x0, v17;
	v15 =	vadd.f32 v18, v15;
	v20 =	vnsel vm1, $0x0, v58  }
0x117: {  	v59 =	vmul.f32 v57, v19;
	v60 =	vnsel vm3, $0x0, v21;
	v14 =	vadd.f32 v20, v14  }
0x118: {  	vm2 =	vgt.f32 v19, $0.0e+00;
	v15 =	vadd.f32 v17, v15;
	v61 =	vnsel vm1, $0x0, v60  }
0x119: {  	v16 =	vnsel vm1, $0x0, v16;
	v62 =	vnsel vm2, $0x0, v59;
	v14 =	vadd.f32 v61, v14  }
0x11a: {  	v15 =	vadd.f32 v16, v15;
	v63 =	vnsel vm1, $0x0, v62  }
0x11b: {  	v14 =	vadd.f32 v63, v14  }
0x11c: {  	[tilespmem:$0x13250] =	vst v15  }
0x11d: {  	[tilespmem:$0x13240] =	vst v14  }
0x11e: {  	[spmem:s7] =	stream.linear.scatter [tilespmem:s13], [sflag:$0x1], $0x20, $0x38;
	[tilespmem:$0x134A0] =	vst v63  }
.Ltmp3:
0x11f: {  	_ =	swait.ge [sflag:s10], $0x20;
	(pc) =	sbr.rel @p0 .LBB2_5-.Ltmp3, $3  }
0x120: {  	[sflag:s10] =	ssyncset.done $0x0  }
0x121: {  	[sflag:s10] =	ssyncadd.s32 $0xFFFFFFE0  }
0x122: {  	[bflag:$0x0] =	sbarrier.arrive $0xFFFF;
	_ =	sdelay $0x1  }
0x123: {  	[tilespmem:s14], [sflag:$0x1] =	stream.linear.gather [spmem:s1], $0x200, $0x38;
	[tilespmem:$0x134A0] =	vst v63  }
0x124: {  	_ =	swait.ge [sflag:s10], $0x200  }
0x125: {  	[sflag:s10] =	ssyncset.done $0x0  }
0x126: {  	[sflag:s10] =	ssyncadd.s32 $0xFFFFFE00  }
0x127: {  	v14 =	vld [tilespmem:$0x13260]  }
0x128: {  	v15 =	vld [tilespmem:$0x13270]  }
0x129: {  	v16 =	vld [tilespmem:$0x13280]  }
0x12a: {  	v17 =	vld [tilespmem:$0x13290]  }
0x12b: {  	v18 =	vld [tilespmem:$0x132A0]  }
0x12c: {  	v19 =	vld [tilespmem:$0x132B0];
	v14 =	vadd.f32 $0.0e+00, v14  }
0x12d: {  	v20 =	vld [tilespmem:$0x132C0];
	v15 =	vadd.f32 $0.0e+00, v15  }
0x12e: {  	v39 =	vld [tilespmem:$0x132D0];
	v14 =	vadd.f32 v16, v14  }
0x12f: {  	v40 =	vld [tilespmem:$0x132E0];
	v15 =	vadd.f32 v17, v15  }
0x130: {  	v41 =	vld [tilespmem:$0x132F0];
	v14 =	vadd.f32 v18, v14  }
0x131: {  	v42 =	vld [tilespmem:$0x13300];
	v15 =	vadd.f32 v19, v15  }
0x132: {  	v43 =	vld [tilespmem:$0x13310];
	v14 =	vadd.f32 v20, v14  }
0x133: {  	v44 =	vld [tilespmem:$0x13320];
	v15 =	vadd.f32 v39, v15  }
0x134: {  	v45 =	vld [tilespmem:$0x13330];
	v14 =	vadd.f32 v40, v14  }
0x135: {  	v46 =	vld [tilespmem:$0x13340];
	v15 =	vadd.f32 v41, v15  }
0x136: {  	v47 =	vld [tilespmem:$0x13350];
	v14 =	vadd.f32 v42, v14  }
0x137: {  	v48 =	vld [tilespmem:$0x13360];
	v15 =	vadd.f32 v43, v15  }
0x138: {  	v49 =	vld [tilespmem:$0x13370];
	v14 =	vadd.f32 v44, v14  }
0x139: {  	v50 =	vld [tilespmem:$0x13380];
	v15 =	vadd.f32 v45, v15  }
0x13a: {  	v51 =	vld [tilespmem:$0x13390];
	v14 =	vadd.f32 v46, v14  }
0x13b: {  	v52 =	vld [tilespmem:$0x133A0];
	v15 =	vadd.f32 v47, v15  }
0x13c: {  	v53 =	vld [tilespmem:$0x133B0];
	v14 =	vadd.f32 v48, v14  }
0x13d: {  	v54 =	vld [tilespmem:$0x133C0];
	v15 =	vadd.f32 v49, v15  }
0x13e: {  	v55 =	vld [tilespmem:$0x133D0];
	v14 =	vadd.f32 v50, v14  }
0x13f: {  	v56 =	vld [tilespmem:$0x133E0];
	v15 =	vadd.f32 v51, v15  }
0x140: {  	v57 =	vld [tilespmem:$0x133F0];
	v14 =	vadd.f32 v52, v14  }
0x141: {  	v58 =	vld [tilespmem:$0x13400];
	v15 =	vadd.f32 v53, v15  }
0x142: {  	v59 =	vld [tilespmem:$0x13410];
	v14 =	vadd.f32 v54, v14  }
0x143: {  	v60 =	vld [tilespmem:$0x13420];
	v15 =	vadd.f32 v55, v15  }
0x144: {  	v61 =	vld [tilespmem:$0x13430];
	v14 =	vadd.f32 v56, v14  }
0x145: {  	v62 =	vld [tilespmem:$0x13440];
	v15 =	vadd.f32 v57, v15  }
0x146: {  	v63 =	vld [tilespmem:$0x13450];
	v14 =	vadd.f32 v58, v14  }
0x147: {  	v15 =	vadd.f32 v59, v15  }
0x148: {  	v14 =	vadd.f32 v60, v14  }
0x149: {  	v15 =	vadd.f32 v61, v15  }
0x14a: {  	v14 =	vadd.f32 v62, v14  }
0x14b: {  	v15 =	vadd.f32 v63, v15  }
0x14c: {  	v14 =	vmul.f32 $9.999999740e-06, v14  }
0x14d: {  	v15 =	vmul.f32 $9.999999740e-06, v15  }
0x14e: {  	[tilespmem:$0x13460] =	vst v14  }
.Ltmp4:
0x14f: {  	[tilespmem:$0x13470] =	vst v15;
	(pc) =	sbr.rel .LBB2_5-.Ltmp4, $4  }
0x150: {  	[hbm4b:s8+s2] =	stream.linear.scatter [tilespmem:s15], [sflag:$0x1], $0x20, $0x38;
	[tilespmem:$0x134A0] =	vst v63  }
0x151: {  	_ =	swait.ge [sflag:s10], $0x20  }
0x152: {  	[sflag:s10] =	ssyncset.done $0x0  }
0x153: {  	[sflag:s10] =	ssyncadd.s32 $0xFFFFFFE0  }
.LBB2_6:
0x154: {  	_ =	sfence.sel $0x180000  }
0x155: {  	[bflag:$0x0] =	sbarrier.arrive $0xFFFF  }
0x156: {  	_ =	strace $0x9000004A  }
0x157: {  	s0 =	sadd.s32 @!p0 $0x100000, s0;
	[bflag:$0x2] =	sbarrier.arrive $0xFFFF  }
0x158: {  	[sflag:s0] =	ssyncadd.tile.s32 @!p0 $0x1;
	_ =	shalt  }
.Lfunc_end2:
_tile_overlayer_lowered:
.L_overlay_start_2:
0x159: {  	(tag) =	ssettag $0x2  }
0x15a: {  	s0 =	rddreg [dreg:$0x0];
	s2 =	stileid.u32  }
0x15b: {  	s1 =	rddreg [dreg:$0x1];
	p0 =	sne.s32 s2, $0x0  }
0x15c: {  	s3 =	rddreg [dreg:$0x2];
	[bflag:$0x3] =	sbarrier.arrive $0xFFFF;
	s2 =	simm.s32 @!p0 $0x1C01  }
0x15d: {  	[timem:s3], [sflag:s2] =	dma.local @!p0 [hbm:s0], s1  }
0x15e: {  	s0 =	simm.s32 @!p0 $0x1  }
0x15f: {  	_ =	swait.ge @!p0 [sflag:s0], s1  }
0x160: {  	s1 =	ssub.s32 @!p0 $0x0, s1;
	[sflag:s0] =	ssyncset.done @!p0 $0x0  }
0x161: {  	[sflag:s0] =	ssyncadd.s32 @!p0 s1  }
0x162: {  	[bflag:$0x3] =	sbarrier.arrive $0xFFFF  }
0x163: {  	_ =	shalt  }

</sc_bundles>
